<compile_context>
chip_gen: v7x
topology: tpu7x:2x2x1
jax: 0.10.2.dev20260603
libtpu: 0.0.44.dev20260713+nightly
codegen_flags: <defaults>
</compile_context>

<pallas_src>
import functools

import jax
import jax.numpy as jnp
from jax import lax
from jax.experimental import pallas as pl
from jax.experimental.pallas import tpu as pltpu
from jax.experimental.pallas import tpu_sc as plsc

_L = 16
_NBUF = 4


def _permute_cols_sc(x_flat, perm_i32, n_rows, n_cols):
    info = plsc.get_sparse_core_info()
    num_cores, num_subcores = info.num_cores, info.num_subcores
    n_workers = num_cores * num_subcores
    rows_per_w = n_rows // n_workers
    chunk_rows = 4
    n_chunks = rows_per_w // chunk_rows
    chunk_elems = chunk_rows * n_cols

    mesh = plsc.VectorSubcoreMesh(core_axis_name="c", subcore_axis_name="s")

    @functools.partial(
        pl.kernel,
        out_type=jax.ShapeDtypeStruct((n_rows * n_cols,), jnp.float32),
        mesh=mesh,
        scratch_types=[
            pltpu.VMEM((n_cols,), jnp.int32),
        ]
        + [pltpu.VMEM((chunk_elems,), jnp.float32) for _ in range(2 * _NBUF)]
        + [pltpu.SemaphoreType.DMA for _ in range(2 * _NBUF)],
        compiler_params=pltpu.CompilerParams(needs_layout_passes=False),
    )
    def k(x_hbm, perm_hbm, out_hbm, perm_v, *bufs_and_sems):
        in_bufs = bufs_and_sems[0:_NBUF]
        out_bufs = bufs_and_sems[_NBUF:2 * _NBUF]
        in_sems = bufs_and_sems[2 * _NBUF:3 * _NBUF]
        out_sems = bufs_and_sems[3 * _NBUF:4 * _NBUF]
        wid = lax.axis_index("s") * num_cores + lax.axis_index("c")
        base = wid * rows_per_w * n_cols

        def start_in(g, b):
            pltpu.async_copy(
                x_hbm.at[pl.ds(base + g * chunk_elems, chunk_elems)], in_bufs[b],
                in_sems[b],
            )

        def wait_in(b):
            pltpu.make_async_copy(
                x_hbm.at[pl.ds(0, chunk_elems)], in_bufs[b], in_sems[b]
            ).wait()

        def start_out(g, b):
            pltpu.async_copy(
                out_bufs[b], out_hbm.at[pl.ds(base + g * chunk_elems, chunk_elems)],
                out_sems[b],
            )

        def wait_out(b):
            pltpu.make_async_copy(
                out_bufs[b], out_hbm.at[pl.ds(0, chunk_elems)], out_sems[b]
            ).wait()

        def compute(b):
            @plsc.parallel_loop(0, n_cols, step=_L, unroll=8)
            def col_body(cbase):
                col = perm_v[pl.ds(cbase, _L)]
                for r in range(chunk_rows):
                    val = plsc.load_gather(in_bufs[b], [col + r * n_cols])
                    out_bufs[b][pl.ds(r * n_cols + cbase, _L)] = val

        for b in range(_NBUF):
            start_in(b, b)
        pltpu.sync_copy(perm_hbm, perm_v)
        for g in range(_NBUF):
            wait_in(g)
            compute(g)
            start_out(g, g)
            start_in(g + _NBUF, g)

        def chunk_body(i, carry):
            g0 = _NBUF + _NBUF * i
            for b in range(_NBUF):
                g = g0 + b
                wait_in(b)
                wait_out(b)
                compute(b)
                start_out(g, b)

                @pl.when(g + _NBUF < n_chunks)
                def _():
                    start_in(g + _NBUF, b)

            return carry

        lax.fori_loop(0, (n_chunks - _NBUF) // _NBUF, chunk_body, 0, unroll=1)
        for b in range(_NBUF):
            wait_out(b)

    return k(x_flat, perm_i32)


def kernel(x, perm):
    n_rows, n_cols = x.shape
    out_flat = _permute_cols_sc(
        x.reshape(n_rows * n_cols), perm.astype(jnp.int32), n_rows, n_cols
    )
    return out_flat.reshape(n_rows, n_cols)

# --- scband reference (transcript-rebuilt; emitter-appended) ---
"""Pipeline reference for scband-permute-layer-12214886990306 (READ-ONLY COPY).

The authoritative reference and input builder live on the scoring server;
editing this copy changes nothing except your own understanding.
"""

import jax, jax.numpy as jnp
import numpy as np


def _make_perm(in_channels, seed):
    rng = np.random.RandomState(seed)
    perm = rng.permutation(in_channels)
    perm_inv = np.zeros_like(perm)
    for i, p in enumerate(perm):
        perm_inv[p] = i
    return jnp.asarray(perm, dtype=jnp.int64), jnp.asarray(perm_inv, dtype=jnp.int64)


def setup_inputs(seed: int = 0) -> dict:
    key = jax.random.key(seed)
    x = jax.random.normal(key, (16384, 2048), dtype=jnp.float32)
    perm, perm_inv = _make_perm(2048, 0)
    return {"x": x, "perm": perm}


def reference(x, perm):
    # PermuteLayer.call with rev=False: gather columns by fixed permutation
    # original returns [x[0][:, self.perm]]; we return the single tensor
    return jnp.take(x, perm, axis=1)

if __name__ == "__main__":
    import jax
    _d = setup_inputs()
    print(jax.jit(kernel)(*tuple(_d.values())))

</pallas_src>

<mosaic_0001>
#map = affine_map<(d0, d1) -> (0)>
module attributes {stable_mosaic.version = 14 : i64} {
  func.func @k(%arg0: i32, %arg1: i32, %arg2: memref<33554432xf32, #tpu.memory_space<hbm>>, %arg3: memref<2048xi32, #tpu.memory_space<hbm>>, %arg4: memref<33554432xf32, #tpu.memory_space<hbm>>, %arg5: memref<2048xi32, #tpu.memory_space<vmem>>, %arg6: memref<8192xf32, #tpu.memory_space<vmem>>, %arg7: memref<8192xf32, #tpu.memory_space<vmem>>, %arg8: memref<8192xf32, #tpu.memory_space<vmem>>, %arg9: memref<8192xf32, #tpu.memory_space<vmem>>, %arg10: memref<8192xf32, #tpu.memory_space<vmem>>, %arg11: memref<8192xf32, #tpu.memory_space<vmem>>, %arg12: memref<8192xf32, #tpu.memory_space<vmem>>, %arg13: memref<8192xf32, #tpu.memory_space<vmem>>, %arg14: memref<!tpu.dma_semaphore, #tpu.memory_space<semaphore_mem>>, %arg15: memref<!tpu.dma_semaphore, #tpu.memory_space<semaphore_mem>>, %arg16: memref<!tpu.dma_semaphore, #tpu.memory_space<semaphore_mem>>, %arg17: memref<!tpu.dma_semaphore, #tpu.memory_space<semaphore_mem>>, %arg18: memref<!tpu.dma_semaphore, #tpu.memory_space<semaphore_mem>>, %arg19: memref<!tpu.dma_semaphore, #tpu.memory_space<semaphore_mem>>, %arg20: memref<!tpu.dma_semaphore, #tpu.memory_space<semaphore_mem>>, %arg21: memref<!tpu.dma_semaphore, #tpu.memory_space<semaphore_mem>>) attributes {dimension_semantics = [#tpu.dimension_semantics<core_parallel>, #tpu.dimension_semantics<subcore_parallel>], iteration_bounds = array<i64: 2, 16>, scalar_prefetch = 0 : i64, scratch_operands = 17 : i64, tpu.core_type = #tpu.core_type<sc_vector_subcore>, window_params = [{transform_indices = #map}, {transform_indices = #map}, {transform_indices = #map}]} {
    %mul3A = arith.constant 2 : i32
    %mul3A_0 = arith.muli %arg1, %mul3A : i32
    %add3A = arith.addi %mul3A_0, %arg0 : i32
    %mul3A_1 = arith.constant 512 : i32
    %mul3A_2 = arith.muli %add3A, %mul3A_1 : i32
    %mul3A_3 = arith.constant 2048 : i32
    %mul3A_4 = arith.muli %mul3A_2, %mul3A_3 : i32
    %add3A_5 = arith.constant 0 : i32
    %add3A_6 = arith.addi %mul3A_4, %add3A_5 : i32
    %dma_start3A = tpu.memref_slice %arg2[%add3A_6] : memref<33554432xf32, #tpu.memory_space<hbm>> -> memref<8192xf32, #tpu.memory_space<hbm>>
    %dma_start3A_7 = tpu.memref_slice %arg2[%add3A_6] : memref<33554432xf32, #tpu.memory_space<hbm>> -> memref<8192xf32, #tpu.memory_space<hbm>>
    tpu.enqueue_dma source(%dma_start3A_7 : memref<8192xf32, #tpu.memory_space<hbm>>) target(%arg6 : memref<8192xf32, #tpu.memory_space<vmem>>) target_semaphore(%arg14 : memref<!tpu.dma_semaphore, #tpu.memory_space<semaphore_mem>>)
    %add3A_8 = arith.constant 8192 : i32
    %add3A_9 = arith.addi %mul3A_4, %add3A_8 : i32
    %dma_start3A_10 = tpu.memref_slice %arg2[%add3A_9] : memref<33554432xf32, #tpu.memory_space<hbm>> -> memref<8192xf32, #tpu.memory_space<hbm>>
    %dma_start3A_11 = tpu.memref_slice %arg2[%add3A_9] : memref<33554432xf32, #tpu.memory_space<hbm>> -> memref<8192xf32, #tpu.memory_space<hbm>>
    tpu.enqueue_dma source(%dma_start3A_11 : memref<8192xf32, #tpu.memory_space<hbm>>) target(%arg7 : memref<8192xf32, #tpu.memory_space<vmem>>) target_semaphore(%arg15 : memref<!tpu.dma_semaphore, #tpu.memory_space<semaphore_mem>>)
    %add3A_12 = arith.constant 16384 : i32
    %add3A_13 = arith.addi %mul3A_4, %add3A_12 : i32
    %dma_start3A_14 = tpu.memref_slice %arg2[%add3A_13] : memref<33554432xf32, #tpu.memory_space<hbm>> -> memref<8192xf32, #tpu.memory_space<hbm>>
    %dma_start3A_15 = tpu.memref_slice %arg2[%add3A_13] : memref<33554432xf32, #tpu.memory_space<hbm>> -> memref<8192xf32, #tpu.memory_space<hbm>>
    tpu.enqueue_dma source(%dma_start3A_15 : memref<8192xf32, #tpu.memory_space<hbm>>) target(%arg8 : memref<8192xf32, #tpu.memory_space<vmem>>) target_semaphore(%arg16 : memref<!tpu.dma_semaphore, #tpu.memory_space<semaphore_mem>>)
    %add3A_16 = arith.constant 24576 : i32
    %add3A_17 = arith.addi %mul3A_4, %add3A_16 : i32
    %dma_start3A_18 = tpu.memref_slice %arg2[%add3A_17] : memref<33554432xf32, #tpu.memory_space<hbm>> -> memref<8192xf32, #tpu.memory_space<hbm>>
    %dma_start3A_19 = tpu.memref_slice %arg2[%add3A_17] : memref<33554432xf32, #tpu.memory_space<hbm>> -> memref<8192xf32, #tpu.memory_space<hbm>>
    tpu.enqueue_dma source(%dma_start3A_19 : memref<8192xf32, #tpu.memory_space<hbm>>) target(%arg9 : memref<8192xf32, #tpu.memory_space<vmem>>) target_semaphore(%arg17 : memref<!tpu.dma_semaphore, #tpu.memory_space<semaphore_mem>>)
    "tpu.region"() ({
      %run_scoped3A = tpu.sem_alloc : memref<!tpu.dma_semaphore, #tpu.memory_space<semaphore_mem>>
      tpu.enqueue_dma source(%arg3 : memref<2048xi32, #tpu.memory_space<hbm>>) target(%arg5 : memref<2048xi32, #tpu.memory_space<vmem>>) target_semaphore(%run_scoped3A : memref<!tpu.dma_semaphore, #tpu.memory_space<semaphore_mem>>)
      tpu.wait_dma2 semaphore(%run_scoped3A : memref<!tpu.dma_semaphore, #tpu.memory_space<semaphore_mem>>) src(%arg3 : memref<2048xi32, #tpu.memory_space<hbm>>) dst(%arg5 : memref<2048xi32, #tpu.memory_space<vmem>>)
      tpu.yield
    }) : () -> ()
    %dma_wait3A = arith.constant 0 : i32
    %dma_wait3A_20 = tpu.memref_slice %arg2[%dma_wait3A] : memref<33554432xf32, #tpu.memory_space<hbm>> -> memref<8192xf32, #tpu.memory_space<hbm>>
    %dma_wait3A_21 = arith.constant 0 : i32
    %dma_wait3A_22 = tpu.memref_slice %arg2[%dma_wait3A_21] : memref<33554432xf32, #tpu.memory_space<hbm>> -> memref<8192xf32, #tpu.memory_space<hbm>>
    tpu.wait_dma2 semaphore(%arg14 : memref<!tpu.dma_semaphore, #tpu.memory_space<semaphore_mem>>) src(%dma_wait3A_22 : memref<8192xf32, #tpu.memory_space<hbm>>) dst(%arg6 : memref<8192xf32, #tpu.memory_space<vmem>>)
    %parallel_loop3A = arith.constant 0 : i32
    %parallel_loop3A_23 = arith.constant 2048 : i32
    %parallel_loop3A_24 = arith.constant 16 : i32
    scf.for %parallel_loop3A_99 = %parallel_loop3A to %parallel_loop3A_23 step %parallel_loop3A_24  : i32 {
      %parallel_loop3A_100 = arith.index_cast %parallel_loop3A_99 : i32 to index
      %parallel_loop3A_101 = tpu.vector_load %arg5[%parallel_loop3A_100] {strides = array<i32>} : memref<2048xi32, #tpu.memory_space<vmem>>, vector<16xi32>,
      %parallel_loop3A_102 = arith.constant 0 : i32
      %parallel_loop3A_103 = vector.broadcast %parallel_loop3A_102 : i32 to vector<16xi32>
      %parallel_loop3A_104 = arith.addi %parallel_loop3A_101, %parallel_loop3A_103 : vector<16xi32>
      %parallel_loop3A_105 = tpu.vector_load_idx %arg6[%parallel_loop3A_104] : memref<8192xf32, #tpu.memory_space<vmem>>[vector<16xi32>], vector<16xf32>,
      %parallel_loop3A_106 = arith.constant 0 : i32
      %parallel_loop3A_107 = arith.addi %parallel_loop3A_106, %parallel_loop3A_99 : i32
      %parallel_loop3A_108 = arith.index_cast %parallel_loop3A_107 : i32 to index
      %parallel_loop3A_109 = tpu.vector_load %arg10[%parallel_loop3A_108] {strides = array<i32>} : memref<8192xf32, #tpu.memory_space<vmem>>, vector<16xf32>,
      tpu.vector_store %arg10[%parallel_loop3A_108], %parallel_loop3A_105 {strides = array<i32>} : memref<8192xf32, #tpu.memory_space<vmem>>, vector<16xf32>,
      %parallel_loop3A_110 = arith.constant 2048 : i32
      %parallel_loop3A_111 = vector.broadcast %parallel_loop3A_110 : i32 to vector<16xi32>
      %parallel_loop3A_112 = arith.addi %parallel_loop3A_101, %parallel_loop3A_111 : vector<16xi32>
      %parallel_loop3A_113 = tpu.vector_load_idx %arg6[%parallel_loop3A_112] : memref<8192xf32, #tpu.memory_space<vmem>>[vector<16xi32>], vector<16xf32>,
      %parallel_loop3A_114 = arith.constant 2048 : i32
      %parallel_loop3A_115 = arith.addi %parallel_loop3A_114, %parallel_loop3A_99 : i32
      %parallel_loop3A_116 = arith.index_cast %parallel_loop3A_115 : i32 to index
      %parallel_loop3A_117 = tpu.vector_load %arg10[%parallel_loop3A_116] {strides = array<i32>} : memref<8192xf32, #tpu.memory_space<vmem>>, vector<16xf32>,
      tpu.vector_store %arg10[%parallel_loop3A_116], %parallel_loop3A_113 {strides = array<i32>} : memref<8192xf32, #tpu.memory_space<vmem>>, vector<16xf32>,
      %parallel_loop3A_118 = arith.constant 4096 : i32
      %parallel_loop3A_119 = vector.broadcast %parallel_loop3A_118 : i32 to vector<16xi32>
      %parallel_loop3A_120 = arith.addi %parallel_loop3A_101, %parallel_loop3A_119 : vector<16xi32>
      %parallel_loop3A_121 = tpu.vector_load_idx %arg6[%parallel_loop3A_120] : memref<8192xf32, #tpu.memory_space<vmem>>[vector<16xi32>], vector<16xf32>,
      %parallel_loop3A_122 = arith.constant 4096 : i32
      %parallel_loop3A_123 = arith.addi %parallel_loop3A_122, %parallel_loop3A_99 : i32
      %parallel_loop3A_124 = arith.index_cast %parallel_loop3A_123 : i32 to index
      %parallel_loop3A_125 = tpu.vector_load %arg10[%parallel_loop3A_124] {strides = array<i32>} : memref<8192xf32, #tpu.memory_space<vmem>>, vector<16xf32>,
      tpu.vector_store %arg10[%parallel_loop3A_124], %parallel_loop3A_121 {strides = array<i32>} : memref<8192xf32, #tpu.memory_space<vmem>>, vector<16xf32>,
      %parallel_loop3A_126 = arith.constant 6144 : i32
      %parallel_loop3A_127 = vector.broadcast %parallel_loop3A_126 : i32 to vector<16xi32>
      %parallel_loop3A_128 = arith.addi %parallel_loop3A_101, %parallel_loop3A_127 : vector<16xi32>
      %parallel_loop3A_129 = tpu.vector_load_idx %arg6[%parallel_loop3A_128] : memref<8192xf32, #tpu.memory_space<vmem>>[vector<16xi32>], vector<16xf32>,
      %parallel_loop3A_130 = arith.constant 6144 : i32
      %parallel_loop3A_131 = arith.addi %parallel_loop3A_130, %parallel_loop3A_99 : i32
      %parallel_loop3A_132 = arith.index_cast %parallel_loop3A_131 : i32 to index
      %parallel_loop3A_133 = tpu.vector_load %arg10[%parallel_loop3A_132] {strides = array<i32>} : memref<8192xf32, #tpu.memory_space<vmem>>, vector<16xf32>,
      tpu.vector_store %arg10[%parallel_loop3A_132], %parallel_loop3A_129 {strides = array<i32>} : memref<8192xf32, #tpu.memory_space<vmem>>, vector<16xf32>,
    } {sc.loop_unroll_factor = 8 : i64, sc.parallel_access}
    %add3A_25 = arith.constant 0 : i32
    %add3A_26 = arith.addi %mul3A_4, %add3A_25 : i32
    %dma_start3A_27 = tpu.memref_slice %arg4[%add3A_26] : memref<33554432xf32, #tpu.memory_space<hbm>> -> memref<8192xf32, #tpu.memory_space<hbm>>
    %dma_start3A_28 = tpu.memref_slice %arg4[%add3A_26] : memref<33554432xf32, #tpu.memory_space<hbm>> -> memref<8192xf32, #tpu.memory_space<hbm>>
    tpu.enqueue_dma source(%arg10 : memref<8192xf32, #tpu.memory_space<vmem>>) target(%dma_start3A_28 : memref<8192xf32, #tpu.memory_space<hbm>>) target_semaphore(%arg18 : memref<!tpu.dma_semaphore, #tpu.memory_space<semaphore_mem>>)
    %add3A_29 = arith.constant 32768 : i32
    %add3A_30 = arith.addi %mul3A_4, %add3A_29 : i32
    %dma_start3A_31 = tpu.memref_slice %arg2[%add3A_30] : memref<33554432xf32, #tpu.memory_space<hbm>> -> memref<8192xf32, #tpu.memory_space<hbm>>
    %dma_start3A_32 = tpu.memref_slice %arg2[%add3A_30] : memref<33554432xf32, #tpu.memory_space<hbm>> -> memref<8192xf32, #tpu.memory_space<hbm>>
    tpu.enqueue_dma source(%dma_start3A_32 : memref<8192xf32, #tpu.memory_space<hbm>>) target(%arg6 : memref<8192xf32, #tpu.memory_space<vmem>>) target_semaphore(%arg14 : memref<!tpu.dma_semaphore, #tpu.memory_space<semaphore_mem>>)
    %dma_wait3A_33 = arith.constant 0 : i32
    %dma_wait3A_34 = tpu.memref_slice %arg2[%dma_wait3A_33] : memref<33554432xf32, #tpu.memory_space<hbm>> -> memref<8192xf32, #tpu.memory_space<hbm>>
    %dma_wait3A_35 = arith.constant 0 : i32
    %dma_wait3A_36 = tpu.memref_slice %arg2[%dma_wait3A_35] : memref<33554432xf32, #tpu.memory_space<hbm>> -> memref<8192xf32, #tpu.memory_space<hbm>>
    tpu.wait_dma2 semaphore(%arg15 : memref<!tpu.dma_semaphore, #tpu.memory_space<semaphore_mem>>) src(%dma_wait3A_36 : memref<8192xf32, #tpu.memory_space<hbm>>) dst(%arg7 : memref<8192xf32, #tpu.memory_space<vmem>>)
    %parallel_loop3A_37 = arith.constant 0 : i32
    %parallel_loop3A_38 = arith.constant 2048 : i32
    %parallel_loop3A_39 = arith.constant 16 : i32
    scf.for %parallel_loop3A_99 = %parallel_loop3A_37 to %parallel_loop3A_38 step %parallel_loop3A_39  : i32 {
      %parallel_loop3A_100 = arith.index_cast %parallel_loop3A_99 : i32 to index
      %parallel_loop3A_101 = tpu.vector_load %arg5[%parallel_loop3A_100] {strides = array<i32>} : memref<2048xi32, #tpu.memory_space<vmem>>, vector<16xi32>,
      %parallel_loop3A_102 = arith.constant 0 : i32
      %parallel_loop3A_103 = vector.broadcast %parallel_loop3A_102 : i32 to vector<16xi32>
      %parallel_loop3A_104 = arith.addi %parallel_loop3A_101, %parallel_loop3A_103 : vector<16xi32>
      %parallel_loop3A_105 = tpu.vector_load_idx %arg7[%parallel_loop3A_104] : memref<8192xf32, #tpu.memory_space<vmem>>[vector<16xi32>], vector<16xf32>,
      %parallel_loop3A_106 = arith.constant 0 : i32
      %parallel_loop3A_107 = arith.addi %parallel_loop3A_106, %parallel_loop3A_99 : i32
      %parallel_loop3A_108 = arith.index_cast %parallel_loop3A_107 : i32 to index
      %parallel_loop3A_109 = tpu.vector_load %arg11[%parallel_loop3A_108] {strides = array<i32>} : memref<8192xf32, #tpu.memory_space<vmem>>, vector<16xf32>,
      tpu.vector_store %arg11[%parallel_loop3A_108], %parallel_loop3A_105 {strides = array<i32>} : memref<8192xf32, #tpu.memory_space<vmem>>, vector<16xf32>,
      %parallel_loop3A_110 = arith.constant 2048 : i32
      %parallel_loop3A_111 = vector.broadcast %parallel_loop3A_110 : i32 to vector<16xi32>
      %parallel_loop3A_112 = arith.addi %parallel_loop3A_101, %parallel_loop3A_111 : vector<16xi32>
      %parallel_loop3A_113 = tpu.vector_load_idx %arg7[%parallel_loop3A_112] : memref<8192xf32, #tpu.memory_space<vmem>>[vector<16xi32>], vector<16xf32>,
      %parallel_loop3A_114 = arith.constant 2048 : i32
      %parallel_loop3A_115 = arith.addi %parallel_loop3A_114, %parallel_loop3A_99 : i32
      %parallel_loop3A_116 = arith.index_cast %parallel_loop3A_115 : i32 to index
      %parallel_loop3A_117 = tpu.vector_load %arg11[%parallel_loop3A_116] {strides = array<i32>} : memref<8192xf32, #tpu.memory_space<vmem>>, vector<16xf32>,
      tpu.vector_store %arg11[%parallel_loop3A_116], %parallel_loop3A_113 {strides = array<i32>} : memref<8192xf32, #tpu.memory_space<vmem>>, vector<16xf32>,
      %parallel_loop3A_118 = arith.constant 4096 : i32
      %parallel_loop3A_119 = vector.broadcast %parallel_loop3A_118 : i32 to vector<16xi32>
      %parallel_loop3A_120 = arith.addi %parallel_loop3A_101, %parallel_loop3A_119 : vector<16xi32>
      %parallel_loop3A_121 = tpu.vector_load_idx %arg7[%parallel_loop3A_120] : memref<8192xf32, #tpu.memory_space<vmem>>[vector<16xi32>], vector<16xf32>,
      %parallel_loop3A_122 = arith.constant 4096 : i32
      %parallel_loop3A_123 = arith.addi %parallel_loop3A_122, %parallel_loop3A_99 : i32
      %parallel_loop3A_124 = arith.index_cast %parallel_loop3A_123 : i32 to index
      %parallel_loop3A_125 = tpu.vector_load %arg11[%parallel_loop3A_124] {strides = array<i32>} : memref<8192xf32, #tpu.memory_space<vmem>>, vector<16xf32>,
      tpu.vector_store %arg11[%parallel_loop3A_124], %parallel_loop3A_121 {strides = array<i32>} : memref<8192xf32, #tpu.memory_space<vmem>>, vector<16xf32>,
      %parallel_loop3A_126 = arith.constant 6144 : i32
      %parallel_loop3A_127 = vector.broadcast %parallel_loop3A_126 : i32 to vector<16xi32>
      %parallel_loop3A_128 = arith.addi %parallel_loop3A_101, %parallel_loop3A_127 : vector<16xi32>
      %parallel_loop3A_129 = tpu.vector_load_idx %arg7[%parallel_loop3A_128] : memref<8192xf32, #tpu.memory_space<vmem>>[vector<16xi32>], vector<16xf32>,
      %parallel_loop3A_130 = arith.constant 6144 : i32
      %parallel_loop3A_131 = arith.addi %parallel_loop3A_130, %parallel_loop3A_99 : i32
      %parallel_loop3A_132 = arith.index_cast %parallel_loop3A_131 : i32 to index
      %parallel_loop3A_133 = tpu.vector_load %arg11[%parallel_loop3A_132] {strides = array<i32>} : memref<8192xf32, #tpu.memory_space<vmem>>, vector<16xf32>,
      tpu.vector_store %arg11[%parallel_loop3A_132], %parallel_loop3A_129 {strides = array<i32>} : memref<8192xf32, #tpu.memory_space<vmem>>, vector<16xf32>,
    } {sc.loop_unroll_factor = 8 : i64, sc.parallel_access}
    %add3A_40 = arith.constant 8192 : i32
    %add3A_41 = arith.addi %mul3A_4, %add3A_40 : i32
    %dma_start3A_42 = tpu.memref_slice %arg4[%add3A_41] : memref<33554432xf32, #tpu.memory_space<hbm>> -> memref<8192xf32, #tpu.memory_space<hbm>>
    %dma_start3A_43 = tpu.memref_slice %arg4[%add3A_41] : memref<33554432xf32, #tpu.memory_space<hbm>> -> memref<8192xf32, #tpu.memory_space<hbm>>
    tpu.enqueue_dma source(%arg11 : memref<8192xf32, #tpu.memory_space<vmem>>) target(%dma_start3A_43 : memref<8192xf32, #tpu.memory_space<hbm>>) target_semaphore(%arg19 : memref<!tpu.dma_semaphore, #tpu.memory_space<semaphore_mem>>)
    %add3A_44 = arith.constant 40960 : i32
    %add3A_45 = arith.addi %mul3A_4, %add3A_44 : i32
    %dma_start3A_46 = tpu.memref_slice %arg2[%add3A_45] : memref<33554432xf32, #tpu.memory_space<hbm>> -> memref<8192xf32, #tpu.memory_space<hbm>>
    %dma_start3A_47 = tpu.memref_slice %arg2[%add3A_45] : memref<33554432xf32, #tpu.memory_space<hbm>> -> memref<8192xf32, #tpu.memory_space<hbm>>
    tpu.enqueue_dma source(%dma_start3A_47 : memref<8192xf32, #tpu.memory_space<hbm>>) target(%arg7 : memref<8192xf32, #tpu.memory_space<vmem>>) target_semaphore(%arg15 : memref<!tpu.dma_semaphore, #tpu.memory_space<semaphore_mem>>)
    %dma_wait3A_48 = arith.constant 0 : i32
    %dma_wait3A_49 = tpu.memref_slice %arg2[%dma_wait3A_48] : memref<33554432xf32, #tpu.memory_space<hbm>> -> memref<8192xf32, #tpu.memory_space<hbm>>
    %dma_wait3A_50 = arith.constant 0 : i32
    %dma_wait3A_51 = tpu.memref_slice %arg2[%dma_wait3A_50] : memref<33554432xf32, #tpu.memory_space<hbm>> -> memref<8192xf32, #tpu.memory_space<hbm>>
    tpu.wait_dma2 semaphore(%arg16 : memref<!tpu.dma_semaphore, #tpu.memory_space<semaphore_mem>>) src(%dma_wait3A_51 : memref<8192xf32, #tpu.memory_space<hbm>>) dst(%arg8 : memref<8192xf32, #tpu.memory_space<vmem>>)
    %parallel_loop3A_52 = arith.constant 0 : i32
    %parallel_loop3A_53 = arith.constant 2048 : i32
    %parallel_loop3A_54 = arith.constant 16 : i32
    scf.for %parallel_loop3A_99 = %parallel_loop3A_52 to %parallel_loop3A_53 step %parallel_loop3A_54  : i32 {
      %parallel_loop3A_100 = arith.index_cast %parallel_loop3A_99 : i32 to index
      %parallel_loop3A_101 = tpu.vector_load %arg5[%parallel_loop3A_100] {strides = array<i32>} : memref<2048xi32, #tpu.memory_space<vmem>>, vector<16xi32>,
      %parallel_loop3A_102 = arith.constant 0 : i32
      %parallel_loop3A_103 = vector.broadcast %parallel_loop3A_102 : i32 to vector<16xi32>
      %parallel_loop3A_104 = arith.addi %parallel_loop3A_101, %parallel_loop3A_103 : vector<16xi32>
      %parallel_loop3A_105 = tpu.vector_load_idx %arg8[%parallel_loop3A_104] : memref<8192xf32, #tpu.memory_space<vmem>>[vector<16xi32>], vector<16xf32>,
      %parallel_loop3A_106 = arith.constant 0 : i32
      %parallel_loop3A_107 = arith.addi %parallel_loop3A_106, %parallel_loop3A_99 : i32
      %parallel_loop3A_108 = arith.index_cast %parallel_loop3A_107 : i32 to index
      %parallel_loop3A_109 = tpu.vector_load %arg12[%parallel_loop3A_108] {strides = array<i32>} : memref<8192xf32, #tpu.memory_space<vmem>>, vector<16xf32>,
      tpu.vector_store %arg12[%parallel_loop3A_108], %parallel_loop3A_105 {strides = array<i32>} : memref<8192xf32, #tpu.memory_space<vmem>>, vector<16xf32>,
      %parallel_loop3A_110 = arith.constant 2048 : i32
      %parallel_loop3A_111 = vector.broadcast %parallel_loop3A_110 : i32 to vector<16xi32>
      %parallel_loop3A_112 = arith.addi %parallel_loop3A_101, %parallel_loop3A_111 : vector<16xi32>
      %parallel_loop3A_113 = tpu.vector_load_idx %arg8[%parallel_loop3A_112] : memref<8192xf32, #tpu.memory_space<vmem>>[vector<16xi32>], vector<16xf32>,
      %parallel_loop3A_114 = arith.constant 2048 : i32
      %parallel_loop3A_115 = arith.addi %parallel_loop3A_114, %parallel_loop3A_99 : i32
      %parallel_loop3A_116 = arith.index_cast %parallel_loop3A_115 : i32 to index
      %parallel_loop3A_117 = tpu.vector_load %arg12[%parallel_loop3A_116] {strides = array<i32>} : memref<8192xf32, #tpu.memory_space<vmem>>, vector<16xf32>,
      tpu.vector_store %arg12[%parallel_loop3A_116], %parallel_loop3A_113 {strides = array<i32>} : memref<8192xf32, #tpu.memory_space<vmem>>, vector<16xf32>,
      %parallel_loop3A_118 = arith.constant 4096 : i32
      %parallel_loop3A_119 = vector.broadcast %parallel_loop3A_118 : i32 to vector<16xi32>
      %parallel_loop3A_120 = arith.addi %parallel_loop3A_101, %parallel_loop3A_119 : vector<16xi32>
      %parallel_loop3A_121 = tpu.vector_load_idx %arg8[%parallel_loop3A_120] : memref<8192xf32, #tpu.memory_space<vmem>>[vector<16xi32>], vector<16xf32>,
      %parallel_loop3A_122 = arith.constant 4096 : i32
      %parallel_loop3A_123 = arith.addi %parallel_loop3A_122, %parallel_loop3A_99 : i32
      %parallel_loop3A_124 = arith.index_cast %parallel_loop3A_123 : i32 to index
      %parallel_loop3A_125 = tpu.vector_load %arg12[%parallel_loop3A_124] {strides = array<i32>} : memref<8192xf32, #tpu.memory_space<vmem>>, vector<16xf32>,
      tpu.vector_store %arg12[%parallel_loop3A_124], %parallel_loop3A_121 {strides = array<i32>} : memref<8192xf32, #tpu.memory_space<vmem>>, vector<16xf32>,
      %parallel_loop3A_126 = arith.constant 6144 : i32
      %parallel_loop3A_127 = vector.broadcast %parallel_loop3A_126 : i32 to vector<16xi32>
      %parallel_loop3A_128 = arith.addi %parallel_loop3A_101, %parallel_loop3A_127 : vector<16xi32>
      %parallel_loop3A_129 = tpu.vector_load_idx %arg8[%parallel_loop3A_128] : memref<8192xf32, #tpu.memory_space<vmem>>[vector<16xi32>], vector<16xf32>,
      %parallel_loop3A_130 = arith.constant 6144 : i32
      %parallel_loop3A_131 = arith.addi %parallel_loop3A_130, %parallel_loop3A_99 : i32
      %parallel_loop3A_132 = arith.index_cast %parallel_loop3A_131 : i32 to index
      %parallel_loop3A_133 = tpu.vector_load %arg12[%parallel_loop3A_132] {strides = array<i32>} : memref<8192xf32, #tpu.memory_space<vmem>>, vector<16xf32>,
      tpu.vector_store %arg12[%parallel_loop3A_132], %parallel_loop3A_129 {strides = array<i32>} : memref<8192xf32, #tpu.memory_space<vmem>>, vector<16xf32>,
    } {sc.loop_unroll_factor = 8 : i64, sc.parallel_access}
    %add3A_55 = arith.constant 16384 : i32
    %add3A_56 = arith.addi %mul3A_4, %add3A_55 : i32
    %dma_start3A_57 = tpu.memref_slice %arg4[%add3A_56] : memref<33554432xf32, #tpu.memory_space<hbm>> -> memref<8192xf32, #tpu.memory_space<hbm>>
    %dma_start3A_58 = tpu.memref_slice %arg4[%add3A_56] : memref<33554432xf32, #tpu.memory_space<hbm>> -> memref<8192xf32, #tpu.memory_space<hbm>>
    tpu.enqueue_dma source(%arg12 : memref<8192xf32, #tpu.memory_space<vmem>>) target(%dma_start3A_58 : memref<8192xf32, #tpu.memory_space<hbm>>) target_semaphore(%arg20 : memref<!tpu.dma_semaphore, #tpu.memory_space<semaphore_mem>>)
    %add3A_59 = arith.constant 49152 : i32
    %add3A_60 = arith.addi %mul3A_4, %add3A_59 : i32
    %dma_start3A_61 = tpu.memref_slice %arg2[%add3A_60] : memref<33554432xf32, #tpu.memory_space<hbm>> -> memref<8192xf32, #tpu.memory_space<hbm>>
    %dma_start3A_62 = tpu.memref_slice %arg2[%add3A_60] : memref<33554432xf32, #tpu.memory_space<hbm>> -> memref<8192xf32, #tpu.memory_space<hbm>>
    tpu.enqueue_dma source(%dma_start3A_62 : memref<8192xf32, #tpu.memory_space<hbm>>) target(%arg8 : memref<8192xf32, #tpu.memory_space<vmem>>) target_semaphore(%arg16 : memref<!tpu.dma_semaphore, #tpu.memory_space<semaphore_mem>>)
    %dma_wait3A_63 = arith.constant 0 : i32
    %dma_wait3A_64 = tpu.memref_slice %arg2[%dma_wait3A_63] : memref<33554432xf32, #tpu.memory_space<hbm>> -> memref<8192xf32, #tpu.memory_space<hbm>>
    %dma_wait3A_65 = arith.constant 0 : i32
    %dma_wait3A_66 = tpu.memref_slice %arg2[%dma_wait3A_65] : memref<33554432xf32, #tpu.memory_space<hbm>> -> memref<8192xf32, #tpu.memory_space<hbm>>
    tpu.wait_dma2 semaphore(%arg17 : memref<!tpu.dma_semaphore, #tpu.memory_space<semaphore_mem>>) src(%dma_wait3A_66 : memref<8192xf32, #tpu.memory_space<hbm>>) dst(%arg9 : memref<8192xf32, #tpu.memory_space<vmem>>)
    %parallel_loop3A_67 = arith.constant 0 : i32
    %parallel_loop3A_68 = arith.constant 2048 : i32
    %parallel_loop3A_69 = arith.constant 16 : i32
    scf.for %parallel_loop3A_99 = %parallel_loop3A_67 to %parallel_loop3A_68 step %parallel_loop3A_69  : i32 {
      %parallel_loop3A_100 = arith.index_cast %parallel_loop3A_99 : i32 to index
      %parallel_loop3A_101 = tpu.vector_load %arg5[%parallel_loop3A_100] {strides = array<i32>} : memref<2048xi32, #tpu.memory_space<vmem>>, vector<16xi32>,
      %parallel_loop3A_102 = arith.constant 0 : i32
      %parallel_loop3A_103 = vector.broadcast %parallel_loop3A_102 : i32 to vector<16xi32>
      %parallel_loop3A_104 = arith.addi %parallel_loop3A_101, %parallel_loop3A_103 : vector<16xi32>
      %parallel_loop3A_105 = tpu.vector_load_idx %arg9[%parallel_loop3A_104] : memref<8192xf32, #tpu.memory_space<vmem>>[vector<16xi32>], vector<16xf32>,
      %parallel_loop3A_106 = arith.constant 0 : i32
      %parallel_loop3A_107 = arith.addi %parallel_loop3A_106, %parallel_loop3A_99 : i32
      %parallel_loop3A_108 = arith.index_cast %parallel_loop3A_107 : i32 to index
      %parallel_loop3A_109 = tpu.vector_load %arg13[%parallel_loop3A_108] {strides = array<i32>} : memref<8192xf32, #tpu.memory_space<vmem>>, vector<16xf32>,
      tpu.vector_store %arg13[%parallel_loop3A_108], %parallel_loop3A_105 {strides = array<i32>} : memref<8192xf32, #tpu.memory_space<vmem>>, vector<16xf32>,
      %parallel_loop3A_110 = arith.constant 2048 : i32
      %parallel_loop3A_111 = vector.broadcast %parallel_loop3A_110 : i32 to vector<16xi32>
      %parallel_loop3A_112 = arith.addi %parallel_loop3A_101, %parallel_loop3A_111 : vector<16xi32>
      %parallel_loop3A_113 = tpu.vector_load_idx %arg9[%parallel_loop3A_112] : memref<8192xf32, #tpu.memory_space<vmem>>[vector<16xi32>], vector<16xf32>,
      %parallel_loop3A_114 = arith.constant 2048 : i32
      %parallel_loop3A_115 = arith.addi %parallel_loop3A_114, %parallel_loop3A_99 : i32
      %parallel_loop3A_116 = arith.index_cast %parallel_loop3A_115 : i32 to index
      %parallel_loop3A_117 = tpu.vector_load %arg13[%parallel_loop3A_116] {strides = array<i32>} : memref<8192xf32, #tpu.memory_space<vmem>>, vector<16xf32>,
      tpu.vector_store %arg13[%parallel_loop3A_116], %parallel_loop3A_113 {strides = array<i32>} : memref<8192xf32, #tpu.memory_space<vmem>>, vector<16xf32>,
      %parallel_loop3A_118 = arith.constant 4096 : i32
      %parallel_loop3A_119 = vector.broadcast %parallel_loop3A_118 : i32 to vector<16xi32>
      %parallel_loop3A_120 = arith.addi %parallel_loop3A_101, %parallel_loop3A_119 : vector<16xi32>
      %parallel_loop3A_121 = tpu.vector_load_idx %arg9[%parallel_loop3A_120] : memref<8192xf32, #tpu.memory_space<vmem>>[vector<16xi32>], vector<16xf32>,
      %parallel_loop3A_122 = arith.constant 4096 : i32
      %parallel_loop3A_123 = arith.addi %parallel_loop3A_122, %parallel_loop3A_99 : i32
      %parallel_loop3A_124 = arith.index_cast %parallel_loop3A_123 : i32 to index
      %parallel_loop3A_125 = tpu.vector_load %arg13[%parallel_loop3A_124] {strides = array<i32>} : memref<8192xf32, #tpu.memory_space<vmem>>, vector<16xf32>,
      tpu.vector_store %arg13[%parallel_loop3A_124], %parallel_loop3A_121 {strides = array<i32>} : memref<8192xf32, #tpu.memory_space<vmem>>, vector<16xf32>,
      %parallel_loop3A_126 = arith.constant 6144 : i32
      %parallel_loop3A_127 = vector.broadcast %parallel_loop3A_126 : i32 to vector<16xi32>
      %parallel_loop3A_128 = arith.addi %parallel_loop3A_101, %parallel_loop3A_127 : vector<16xi32>
      %parallel_loop3A_129 = tpu.vector_load_idx %arg9[%parallel_loop3A_128] : memref<8192xf32, #tpu.memory_space<vmem>>[vector<16xi32>], vector<16xf32>,
      %parallel_loop3A_130 = arith.constant 6144 : i32
      %parallel_loop3A_131 = arith.addi %parallel_loop3A_130, %parallel_loop3A_99 : i32
      %parallel_loop3A_132 = arith.index_cast %parallel_loop3A_131 : i32 to index
      %parallel_loop3A_133 = tpu.vector_load %arg13[%parallel_loop3A_132] {strides = array<i32>} : memref<8192xf32, #tpu.memory_space<vmem>>, vector<16xf32>,
      tpu.vector_store %arg13[%parallel_loop3A_132], %parallel_loop3A_129 {strides = array<i32>} : memref<8192xf32, #tpu.memory_space<vmem>>, vector<16xf32>,
    } {sc.loop_unroll_factor = 8 : i64, sc.parallel_access}
    %add3A_70 = arith.constant 24576 : i32
    %add3A_71 = arith.addi %mul3A_4, %add3A_70 : i32
    %dma_start3A_72 = tpu.memref_slice %arg4[%add3A_71] : memref<33554432xf32, #tpu.memory_space<hbm>> -> memref<8192xf32, #tpu.memory_space<hbm>>
    %dma_start3A_73 = tpu.memref_slice %arg4[%add3A_71] : memref<33554432xf32, #tpu.memory_space<hbm>> -> memref<8192xf32, #tpu.memory_space<hbm>>
    tpu.enqueue_dma source(%arg13 : memref<8192xf32, #tpu.memory_space<vmem>>) target(%dma_start3A_73 : memref<8192xf32, #tpu.memory_space<hbm>>) target_semaphore(%arg21 : memref<!tpu.dma_semaphore, #tpu.memory_space<semaphore_mem>>)
    %add3A_74 = arith.constant 57344 : i32
    %add3A_75 = arith.addi %mul3A_4, %add3A_74 : i32
    %dma_start3A_76 = tpu.memref_slice %arg2[%add3A_75] : memref<33554432xf32, #tpu.memory_space<hbm>> -> memref<8192xf32, #tpu.memory_space<hbm>>
    %dma_start3A_77 = tpu.memref_slice %arg2[%add3A_75] : memref<33554432xf32, #tpu.memory_space<hbm>> -> memref<8192xf32, #tpu.memory_space<hbm>>
    tpu.enqueue_dma source(%dma_start3A_77 : memref<8192xf32, #tpu.memory_space<hbm>>) target(%arg9 : memref<8192xf32, #tpu.memory_space<vmem>>) target_semaphore(%arg17 : memref<!tpu.dma_semaphore, #tpu.memory_space<semaphore_mem>>)
    %scan3A = arith.constant 0 : i32
    %scan3A_78 = arith.constant 0 : i32
    %scan3A_79 = arith.constant 31 : i32
    %scan3A_80 = arith.addi %scan3A_78, %scan3A_79 : i32
    %scan3A_81 = arith.constant 1 : i32
    scf.for %scan3A_99 = %scan3A_78 to %scan3A_80 step %scan3A_81  : i32 {
      %mul3A_100 = arith.constant 4 : i32
      %mul3A_101 = arith.muli %mul3A_100, %scan3A_99 : i32
      %add3A_102 = arith.constant 4 : i32
      %add3A_103 = arith.addi %add3A_102, %mul3A_101 : i32
      %add3A_104 = arith.constant 0 : i32
      %add3A_105 = arith.addi %add3A_103, %add3A_104 : i32
      %dma_wait3A_106 = arith.constant 0 : i32
      %dma_wait3A_107 = tpu.memref_slice %arg2[%dma_wait3A_106] : memref<33554432xf32, #tpu.memory_space<hbm>> -> memref<8192xf32, #tpu.memory_space<hbm>>
      %dma_wait3A_108 = arith.constant 0 : i32
      %dma_wait3A_109 = tpu.memref_slice %arg2[%dma_wait3A_108] : memref<33554432xf32, #tpu.memory_space<hbm>> -> memref<8192xf32, #tpu.memory_space<hbm>>
      tpu.wait_dma2 semaphore(%arg14 : memref<!tpu.dma_semaphore, #tpu.memory_space<semaphore_mem>>) src(%dma_wait3A_109 : memref<8192xf32, #tpu.memory_space<hbm>>) dst(%arg6 : memref<8192xf32, #tpu.memory_space<vmem>>)
      %dma_wait3A_110 = arith.constant 0 : i32
      %dma_wait3A_111 = tpu.memref_slice %arg4[%dma_wait3A_110] : memref<33554432xf32, #tpu.memory_space<hbm>> -> memref<8192xf32, #tpu.memory_space<hbm>>
      %dma_wait3A_112 = arith.constant 0 : i32
      %dma_wait3A_113 = tpu.memref_slice %arg4[%dma_wait3A_112] : memref<33554432xf32, #tpu.memory_space<hbm>> -> memref<8192xf32, #tpu.memory_space<hbm>>
      tpu.wait_dma2 semaphore(%arg18 : memref<!tpu.dma_semaphore, #tpu.memory_space<semaphore_mem>>) src(%arg10 : memref<8192xf32, #tpu.memory_space<vmem>>) dst(%dma_wait3A_113 : memref<8192xf32, #tpu.memory_space<hbm>>)
      %parallel_loop3A_114 = arith.constant 0 : i32
      %parallel_loop3A_115 = arith.constant 2048 : i32
      %parallel_loop3A_116 = arith.constant 16 : i32
      scf.for %parallel_loop3A_201 = %parallel_loop3A_114 to %parallel_loop3A_115 step %parallel_loop3A_116  : i32 {
        %parallel_loop3A_202 = arith.index_cast %parallel_loop3A_201 : i32 to index
        %parallel_loop3A_203 = tpu.vector_load %arg5[%parallel_loop3A_202] {strides = array<i32>} : memref<2048xi32, #tpu.memory_space<vmem>>, vector<16xi32>,
        %parallel_loop3A_204 = arith.constant 0 : i32
        %parallel_loop3A_205 = vector.broadcast %parallel_loop3A_204 : i32 to vector<16xi32>
        %parallel_loop3A_206 = arith.addi %parallel_loop3A_203, %parallel_loop3A_205 : vector<16xi32>
        %parallel_loop3A_207 = tpu.vector_load_idx %arg6[%parallel_loop3A_206] : memref<8192xf32, #tpu.memory_space<vmem>>[vector<16xi32>], vector<16xf32>,
        %parallel_loop3A_208 = arith.constant 0 : i32
        %parallel_loop3A_209 = arith.addi %parallel_loop3A_208, %parallel_loop3A_201 : i32
        %parallel_loop3A_210 = arith.index_cast %parallel_loop3A_209 : i32 to index
        %parallel_loop3A_211 = tpu.vector_load %arg10[%parallel_loop3A_210] {strides = array<i32>} : memref<8192xf32, #tpu.memory_space<vmem>>, vector<16xf32>,
        tpu.vector_store %arg10[%parallel_loop3A_210], %parallel_loop3A_207 {strides = array<i32>} : memref<8192xf32, #tpu.memory_space<vmem>>, vector<16xf32>,
        %parallel_loop3A_212 = arith.constant 2048 : i32
        %parallel_loop3A_213 = vector.broadcast %parallel_loop3A_212 : i32 to vector<16xi32>
        %parallel_loop3A_214 = arith.addi %parallel_loop3A_203, %parallel_loop3A_213 : vector<16xi32>
        %parallel_loop3A_215 = tpu.vector_load_idx %arg6[%parallel_loop3A_214] : memref<8192xf32, #tpu.memory_space<vmem>>[vector<16xi32>], vector<16xf32>,
        %parallel_loop3A_216 = arith.constant 2048 : i32
        %parallel_loop3A_217 = arith.addi %parallel_loop3A_216, %parallel_loop3A_201 : i32
        %parallel_loop3A_218 = arith.index_cast %parallel_loop3A_217 : i32 to index
        %parallel_loop3A_219 = tpu.vector_load %arg10[%parallel_loop3A_218] {strides = array<i32>} : memref<8192xf32, #tpu.memory_space<vmem>>, vector<16xf32>,
        tpu.vector_store %arg10[%parallel_loop3A_218], %parallel_loop3A_215 {strides = array<i32>} : memref<8192xf32, #tpu.memory_space<vmem>>, vector<16xf32>,
        %parallel_loop3A_220 = arith.constant 4096 : i32
        %parallel_loop3A_221 = vector.broadcast %parallel_loop3A_220 : i32 to vector<16xi32>
        %parallel_loop3A_222 = arith.addi %parallel_loop3A_203, %parallel_loop3A_221 : vector<16xi32>
        %parallel_loop3A_223 = tpu.vector_load_idx %arg6[%parallel_loop3A_222] : memref<8192xf32, #tpu.memory_space<vmem>>[vector<16xi32>], vector<16xf32>,
        %parallel_loop3A_224 = arith.constant 4096 : i32
        %parallel_loop3A_225 = arith.addi %parallel_loop3A_224, %parallel_loop3A_201 : i32
        %parallel_loop3A_226 = arith.index_cast %parallel_loop3A_225 : i32 to index
        %parallel_loop3A_227 = tpu.vector_load %arg10[%parallel_loop3A_226] {strides = array<i32>} : memref<8192xf32, #tpu.memory_space<vmem>>, vector<16xf32>,
        tpu.vector_store %arg10[%parallel_loop3A_226], %parallel_loop3A_223 {strides = array<i32>} : memref<8192xf32, #tpu.memory_space<vmem>>, vector<16xf32>,
        %parallel_loop3A_228 = arith.constant 6144 : i32
        %parallel_loop3A_229 = vector.broadcast %parallel_loop3A_228 : i32 to vector<16xi32>
        %parallel_loop3A_230 = arith.addi %parallel_loop3A_203, %parallel_loop3A_229 : vector<16xi32>
        %parallel_loop3A_231 = tpu.vector_load_idx %arg6[%parallel_loop3A_230] : memref<8192xf32, #tpu.memory_space<vmem>>[vector<16xi32>], vector<16xf32>,
        %parallel_loop3A_232 = arith.constant 6144 : i32
        %parallel_loop3A_233 = arith.addi %parallel_loop3A_232, %parallel_loop3A_201 : i32
        %parallel_loop3A_234 = arith.index_cast %parallel_loop3A_233 : i32 to index
        %parallel_loop3A_235 = tpu.vector_load %arg10[%parallel_loop3A_234] {strides = array<i32>} : memref<8192xf32, #tpu.memory_space<vmem>>, vector<16xf32>,
        tpu.vector_store %arg10[%parallel_loop3A_234], %parallel_loop3A_231 {strides = array<i32>} : memref<8192xf32, #tpu.memory_space<vmem>>, vector<16xf32>,
      } {sc.loop_unroll_factor = 8 : i64, sc.parallel_access}
      %mul3A_117 = arith.constant 8192 : i32
      %mul3A_118 = arith.muli %add3A_105, %mul3A_117 : i32
      %add3A_119 = arith.addi %mul3A_4, %mul3A_118 : i32
      %dma_start3A_120 = tpu.memref_slice %arg4[%add3A_119] : memref<33554432xf32, #tpu.memory_space<hbm>> -> memref<8192xf32, #tpu.memory_space<hbm>>
      %dma_start3A_121 = tpu.memref_slice %arg4[%add3A_119] : memref<33554432xf32, #tpu.memory_space<hbm>> -> memref<8192xf32, #tpu.memory_space<hbm>>
      tpu.enqueue_dma source(%arg10 : memref<8192xf32, #tpu.memory_space<vmem>>) target(%dma_start3A_121 : memref<8192xf32, #tpu.memory_space<hbm>>) target_semaphore(%arg18 : memref<!tpu.dma_semaphore, #tpu.memory_space<semaphore_mem>>)
      %add3A_122 = arith.constant 4 : i32
      %add3A_123 = arith.addi %add3A_105, %add3A_122 : i32
      %lt3A = arith.constant 128 : i32
      %lt3A_124 = arith.cmpi slt, %add3A_123, %lt3A : i32
      %convert_element_type3A = arith.extui %lt3A_124 : i1 to i32
      %cond3A = arith.constant 0 : i32
      %cond3A_125 = arith.cmpi ne, %convert_element_type3A, %cond3A : i32
      scf.if %cond3A_125 {
        %add3A_201 = arith.constant 4 : i32
        %add3A_202 = arith.addi %add3A_105, %add3A_201 : i32
        %mul3A_203 = arith.constant 8192 : i32
        %mul3A_204 = arith.muli %add3A_202, %mul3A_203 : i32
        %add3A_205 = arith.addi %mul3A_4, %mul3A_204 : i32
        %dma_start3A_206 = tpu.memref_slice %arg2[%add3A_205] : memref<33554432xf32, #tpu.memory_space<hbm>> -> memref<8192xf32, #tpu.memory_space<hbm>>
        %dma_start3A_207 = tpu.memref_slice %arg2[%add3A_205] : memref<33554432xf32, #tpu.memory_space<hbm>> -> memref<8192xf32, #tpu.memory_space<hbm>>
        tpu.enqueue_dma source(%dma_start3A_207 : memref<8192xf32, #tpu.memory_space<hbm>>) target(%arg6 : memref<8192xf32, #tpu.memory_space<vmem>>) target_semaphore(%arg14 : memref<!tpu.dma_semaphore, #tpu.memory_space<semaphore_mem>>)
      } else {
      }
      %add3A_126 = arith.constant 1 : i32
      %add3A_127 = arith.addi %add3A_103, %add3A_126 : i32
      %dma_wait3A_128 = arith.constant 0 : i32
      %dma_wait3A_129 = tpu.memref_slice %arg2[%dma_wait3A_128] : memref<33554432xf32, #tpu.memory_space<hbm>> -> memref<8192xf32, #tpu.memory_space<hbm>>
      %dma_wait3A_130 = arith.constant 0 : i32
      %dma_wait3A_131 = tpu.memref_slice %arg2[%dma_wait3A_130] : memref<33554432xf32, #tpu.memory_space<hbm>> -> memref<8192xf32, #tpu.memory_space<hbm>>
      tpu.wait_dma2 semaphore(%arg15 : memref<!tpu.dma_semaphore, #tpu.memory_space<semaphore_mem>>) src(%dma_wait3A_131 : memref<8192xf32, #tpu.memory_space<hbm>>) dst(%arg7 : memref<8192xf32, #tpu.memory_space<vmem>>)
      %dma_wait3A_132 = arith.constant 0 : i32
      %dma_wait3A_133 = tpu.memref_slice %arg4[%dma_wait3A_132] : memref<33554432xf32, #tpu.memory_space<hbm>> -> memref<8192xf32, #tpu.memory_space<hbm>>
      %dma_wait3A_134 = arith.constant 0 : i32
      %dma_wait3A_135 = tpu.memref_slice %arg4[%dma_wait3A_134] : memref<33554432xf32, #tpu.memory_space<hbm>> -> memref<8192xf32, #tpu.memory_space<hbm>>
      tpu.wait_dma2 semaphore(%arg19 : memref<!tpu.dma_semaphore, #tpu.memory_space<semaphore_mem>>) src(%arg11 : memref<8192xf32, #tpu.memory_space<vmem>>) dst(%dma_wait3A_135 : memref<8192xf32, #tpu.memory_space<hbm>>)
      %parallel_loop3A_136 = arith.constant 0 : i32
      %parallel_loop3A_137 = arith.constant 2048 : i32
      %parallel_loop3A_138 = arith.constant 16 : i32
      scf.for %parallel_loop3A_201 = %parallel_loop3A_136 to %parallel_loop3A_137 step %parallel_loop3A_138  : i32 {
        %parallel_loop3A_202 = arith.index_cast %parallel_loop3A_201 : i32 to index
        %parallel_loop3A_203 = tpu.vector_load %arg5[%parallel_loop3A_202] {strides = array<i32>} : memref<2048xi32, #tpu.memory_space<vmem>>, vector<16xi32>,
        %parallel_loop3A_204 = arith.constant 0 : i32
        %parallel_loop3A_205 = vector.broadcast %parallel_loop3A_204 : i32 to vector<16xi32>
        %parallel_loop3A_206 = arith.addi %parallel_loop3A_203, %parallel_loop3A_205 : vector<16xi32>
        %parallel_loop3A_207 = tpu.vector_load_idx %arg7[%parallel_loop3A_206] : memref<8192xf32, #tpu.memory_space<vmem>>[vector<16xi32>], vector<16xf32>,
        %parallel_loop3A_208 = arith.constant 0 : i32
        %parallel_loop3A_209 = arith.addi %parallel_loop3A_208, %parallel_loop3A_201 : i32
        %parallel_loop3A_210 = arith.index_cast %parallel_loop3A_209 : i32 to index
        %parallel_loop3A_211 = tpu.vector_load %arg11[%parallel_loop3A_210] {strides = array<i32>} : memref<8192xf32, #tpu.memory_space<vmem>>, vector<16xf32>,
        tpu.vector_store %arg11[%parallel_loop3A_210], %parallel_loop3A_207 {strides = array<i32>} : memref<8192xf32, #tpu.memory_space<vmem>>, vector<16xf32>,
        %parallel_loop3A_212 = arith.constant 2048 : i32
        %parallel_loop3A_213 = vector.broadcast %parallel_loop3A_212 : i32 to vector<16xi32>
        %parallel_loop3A_214 = arith.addi %parallel_loop3A_203, %parallel_loop3A_213 : vector<16xi32>
        %parallel_loop3A_215 = tpu.vector_load_idx %arg7[%parallel_loop3A_214] : memref<8192xf32, #tpu.memory_space<vmem>>[vector<16xi32>], vector<16xf32>,
        %parallel_loop3A_216 = arith.constant 2048 : i32
        %parallel_loop3A_217 = arith.addi %parallel_loop3A_216, %parallel_loop3A_201 : i32
        %parallel_loop3A_218 = arith.index_cast %parallel_loop3A_217 : i32 to index
        %parallel_loop3A_219 = tpu.vector_load %arg11[%parallel_loop3A_218] {strides = array<i32>} : memref<8192xf32, #tpu.memory_space<vmem>>, vector<16xf32>,
        tpu.vector_store %arg11[%parallel_loop3A_218], %parallel_loop3A_215 {strides = array<i32>} : memref<8192xf32, #tpu.memory_space<vmem>>, vector<16xf32>,
        %parallel_loop3A_220 = arith.constant 4096 : i32
        %parallel_loop3A_221 = vector.broadcast %parallel_loop3A_220 : i32 to vector<16xi32>
        %parallel_loop3A_222 = arith.addi %parallel_loop3A_203, %parallel_loop3A_221 : vector<16xi32>
        %parallel_loop3A_223 = tpu.vector_load_idx %arg7[%parallel_loop3A_222] : memref<8192xf32, #tpu.memory_space<vmem>>[vector<16xi32>], vector<16xf32>,
        %parallel_loop3A_224 = arith.constant 4096 : i32
        %parallel_loop3A_225 = arith.addi %parallel_loop3A_224, %parallel_loop3A_201 : i32
        %parallel_loop3A_226 = arith.index_cast %parallel_loop3A_225 : i32 to index
        %parallel_loop3A_227 = tpu.vector_load %arg11[%parallel_loop3A_226] {strides = array<i32>} : memref<8192xf32, #tpu.memory_space<vmem>>, vector<16xf32>,
        tpu.vector_store %arg11[%parallel_loop3A_226], %parallel_loop3A_223 {strides = array<i32>} : memref<8192xf32, #tpu.memory_space<vmem>>, vector<16xf32>,
        %parallel_loop3A_228 = arith.constant 6144 : i32
        %parallel_loop3A_229 = vector.broadcast %parallel_loop3A_228 : i32 to vector<16xi32>
        %parallel_loop3A_230 = arith.addi %parallel_loop3A_203, %parallel_loop3A_229 : vector<16xi32>
        %parallel_loop3A_231 = tpu.vector_load_idx %arg7[%parallel_loop3A_230] : memref<8192xf32, #tpu.memory_space<vmem>>[vector<16xi32>], vector<16xf32>,
        %parallel_loop3A_232 = arith.constant 6144 : i32
        %parallel_loop3A_233 = arith.addi %parallel_loop3A_232, %parallel_loop3A_201 : i32
        %parallel_loop3A_234 = arith.index_cast %parallel_loop3A_233 : i32 to index
        %parallel_loop3A_235 = tpu.vector_load %arg11[%parallel_loop3A_234] {strides = array<i32>} : memref<8192xf32, #tpu.memory_space<vmem>>, vector<16xf32>,
        tpu.vector_store %arg11[%parallel_loop3A_234], %parallel_loop3A_231 {strides = array<i32>} : memref<8192xf32, #tpu.memory_space<vmem>>, vector<16xf32>,
      } {sc.loop_unroll_factor = 8 : i64, sc.parallel_access}
      %mul3A_139 = arith.constant 8192 : i32
      %mul3A_140 = arith.muli %add3A_127, %mul3A_139 : i32
      %add3A_141 = arith.addi %mul3A_4, %mul3A_140 : i32
      %dma_start3A_142 = tpu.memref_slice %arg4[%add3A_141] : memref<33554432xf32, #tpu.memory_space<hbm>> -> memref<8192xf32, #tpu.memory_space<hbm>>
      %dma_start3A_143 = tpu.memref_slice %arg4[%add3A_141] : memref<33554432xf32, #tpu.memory_space<hbm>> -> memref<8192xf32, #tpu.memory_space<hbm>>
      tpu.enqueue_dma source(%arg11 : memref<8192xf32, #tpu.memory_space<vmem>>) target(%dma_start3A_143 : memref<8192xf32, #tpu.memory_space<hbm>>) target_semaphore(%arg19 : memref<!tpu.dma_semaphore, #tpu.memory_space<semaphore_mem>>)
      %add3A_144 = arith.constant 4 : i32
      %add3A_145 = arith.addi %add3A_127, %add3A_144 : i32
      %lt3A_146 = arith.constant 128 : i32
      %lt3A_147 = arith.cmpi slt, %add3A_145, %lt3A_146 : i32
      %convert_element_type3A_148 = arith.extui %lt3A_147 : i1 to i32
      %cond3A_149 = arith.constant 0 : i32
      %cond3A_150 = arith.cmpi ne, %convert_element_type3A_148, %cond3A_149 : i32
      scf.if %cond3A_150 {
        %add3A_201 = arith.constant 4 : i32
        %add3A_202 = arith.addi %add3A_127, %add3A_201 : i32
        %mul3A_203 = arith.constant 8192 : i32
        %mul3A_204 = arith.muli %add3A_202, %mul3A_203 : i32
        %add3A_205 = arith.addi %mul3A_4, %mul3A_204 : i32
        %dma_start3A_206 = tpu.memref_slice %arg2[%add3A_205] : memref<33554432xf32, #tpu.memory_space<hbm>> -> memref<8192xf32, #tpu.memory_space<hbm>>
        %dma_start3A_207 = tpu.memref_slice %arg2[%add3A_205] : memref<33554432xf32, #tpu.memory_space<hbm>> -> memref<8192xf32, #tpu.memory_space<hbm>>
        tpu.enqueue_dma source(%dma_start3A_207 : memref<8192xf32, #tpu.memory_space<hbm>>) target(%arg7 : memref<8192xf32, #tpu.memory_space<vmem>>) target_semaphore(%arg15 : memref<!tpu.dma_semaphore, #tpu.memory_space<semaphore_mem>>)
      } else {
      }
      %add3A_151 = arith.constant 2 : i32
      %add3A_152 = arith.addi %add3A_103, %add3A_151 : i32
      %dma_wait3A_153 = arith.constant 0 : i32
      %dma_wait3A_154 = tpu.memref_slice %arg2[%dma_wait3A_153] : memref<33554432xf32, #tpu.memory_space<hbm>> -> memref<8192xf32, #tpu.memory_space<hbm>>
      %dma_wait3A_155 = arith.constant 0 : i32
      %dma_wait3A_156 = tpu.memref_slice %arg2[%dma_wait3A_155] : memref<33554432xf32, #tpu.memory_space<hbm>> -> memref<8192xf32, #tpu.memory_space<hbm>>
      tpu.wait_dma2 semaphore(%arg16 : memref<!tpu.dma_semaphore, #tpu.memory_space<semaphore_mem>>) src(%dma_wait3A_156 : memref<8192xf32, #tpu.memory_space<hbm>>) dst(%arg8 : memref<8192xf32, #tpu.memory_space<vmem>>)
      %dma_wait3A_157 = arith.constant 0 : i32
      %dma_wait3A_158 = tpu.memref_slice %arg4[%dma_wait3A_157] : memref<33554432xf32, #tpu.memory_space<hbm>> -> memref<8192xf32, #tpu.memory_space<hbm>>
      %dma_wait3A_159 = arith.constant 0 : i32
      %dma_wait3A_160 = tpu.memref_slice %arg4[%dma_wait3A_159] : memref<33554432xf32, #tpu.memory_space<hbm>> -> memref<8192xf32, #tpu.memory_space<hbm>>
      tpu.wait_dma2 semaphore(%arg20 : memref<!tpu.dma_semaphore, #tpu.memory_space<semaphore_mem>>) src(%arg12 : memref<8192xf32, #tpu.memory_space<vmem>>) dst(%dma_wait3A_160 : memref<8192xf32, #tpu.memory_space<hbm>>)
      %parallel_loop3A_161 = arith.constant 0 : i32
      %parallel_loop3A_162 = arith.constant 2048 : i32
      %parallel_loop3A_163 = arith.constant 16 : i32
      scf.for %parallel_loop3A_201 = %parallel_loop3A_161 to %parallel_loop3A_162 step %parallel_loop3A_163  : i32 {
        %parallel_loop3A_202 = arith.index_cast %parallel_loop3A_201 : i32 to index
        %parallel_loop3A_203 = tpu.vector_load %arg5[%parallel_loop3A_202] {strides = array<i32>} : memref<2048xi32, #tpu.memory_space<vmem>>, vector<16xi32>,
        %parallel_loop3A_204 = arith.constant 0 : i32
        %parallel_loop3A_205 = vector.broadcast %parallel_loop3A_204 : i32 to vector<16xi32>
        %parallel_loop3A_206 = arith.addi %parallel_loop3A_203, %parallel_loop3A_205 : vector<16xi32>
        %parallel_loop3A_207 = tpu.vector_load_idx %arg8[%parallel_loop3A_206] : memref<8192xf32, #tpu.memory_space<vmem>>[vector<16xi32>], vector<16xf32>,
        %parallel_loop3A_208 = arith.constant 0 : i32
        %parallel_loop3A_209 = arith.addi %parallel_loop3A_208, %parallel_loop3A_201 : i32
        %parallel_loop3A_210 = arith.index_cast %parallel_loop3A_209 : i32 to index
        %parallel_loop3A_211 = tpu.vector_load %arg12[%parallel_loop3A_210] {strides = array<i32>} : memref<8192xf32, #tpu.memory_space<vmem>>, vector<16xf32>,
        tpu.vector_store %arg12[%parallel_loop3A_210], %parallel_loop3A_207 {strides = array<i32>} : memref<8192xf32, #tpu.memory_space<vmem>>, vector<16xf32>,
        %parallel_loop3A_212 = arith.constant 2048 : i32
        %parallel_loop3A_213 = vector.broadcast %parallel_loop3A_212 : i32 to vector<16xi32>
        %parallel_loop3A_214 = arith.addi %parallel_loop3A_203, %parallel_loop3A_213 : vector<16xi32>
        %parallel_loop3A_215 = tpu.vector_load_idx %arg8[%parallel_loop3A_214] : memref<8192xf32, #tpu.memory_space<vmem>>[vector<16xi32>], vector<16xf32>,
        %parallel_loop3A_216 = arith.constant 2048 : i32
        %parallel_loop3A_217 = arith.addi %parallel_loop3A_216, %parallel_loop3A_201 : i32
        %parallel_loop3A_218 = arith.index_cast %parallel_loop3A_217 : i32 to index
        %parallel_loop3A_219 = tpu.vector_load %arg12[%parallel_loop3A_218] {strides = array<i32>} : memref<8192xf32, #tpu.memory_space<vmem>>, vector<16xf32>,
        tpu.vector_store %arg12[%parallel_loop3A_218], %parallel_loop3A_215 {strides = array<i32>} : memref<8192xf32, #tpu.memory_space<vmem>>, vector<16xf32>,
        %parallel_loop3A_220 = arith.constant 4096 : i32
        %parallel_loop3A_221 = vector.broadcast %parallel_loop3A_220 : i32 to vector<16xi32>
        %parallel_loop3A_222 = arith.addi %parallel_loop3A_203, %parallel_loop3A_221 : vector<16xi32>
        %parallel_loop3A_223 = tpu.vector_load_idx %arg8[%parallel_loop3A_222] : memref<8192xf32, #tpu.memory_space<vmem>>[vector<16xi32>], vector<16xf32>,
        %parallel_loop3A_224 = arith.constant 4096 : i32
        %parallel_loop3A_225 = arith.addi %parallel_loop3A_224, %parallel_loop3A_201 : i32
        %parallel_loop3A_226 = arith.index_cast %parallel_loop3A_225 : i32 to index
        %parallel_loop3A_227 = tpu.vector_load %arg12[%parallel_loop3A_226] {strides = array<i32>} : memref<8192xf32, #tpu.memory_space<vmem>>, vector<16xf32>,
        tpu.vector_store %arg12[%parallel_loop3A_226], %parallel_loop3A_223 {strides = array<i32>} : memref<8192xf32, #tpu.memory_space<vmem>>, vector<16xf32>,
        %parallel_loop3A_228 = arith.constant 6144 : i32
        %parallel_loop3A_229 = vector.broadcast %parallel_loop3A_228 : i32 to vector<16xi32>
        %parallel_loop3A_230 = arith.addi %parallel_loop3A_203, %parallel_loop3A_229 : vector<16xi32>
        %parallel_loop3A_231 = tpu.vector_load_idx %arg8[%parallel_loop3A_230] : memref<8192xf32, #tpu.memory_space<vmem>>[vector<16xi32>], vector<16xf32>,
        %parallel_loop3A_232 = arith.constant 6144 : i32
        %parallel_loop3A_233 = arith.addi %parallel_loop3A_232, %parallel_loop3A_201 : i32
        %parallel_loop3A_234 = arith.index_cast %parallel_loop3A_233 : i32 to index
        %parallel_loop3A_235 = tpu.vector_load %arg12[%parallel_loop3A_234] {strides = array<i32>} : memref<8192xf32, #tpu.memory_space<vmem>>, vector<16xf32>,
        tpu.vector_store %arg12[%parallel_loop3A_234], %parallel_loop3A_231 {strides = array<i32>} : memref<8192xf32, #tpu.memory_space<vmem>>, vector<16xf32>,
      } {sc.loop_unroll_factor = 8 : i64, sc.parallel_access}
      %mul3A_164 = arith.constant 8192 : i32
      %mul3A_165 = arith.muli %add3A_152, %mul3A_164 : i32
      %add3A_166 = arith.addi %mul3A_4, %mul3A_165 : i32
      %dma_start3A_167 = tpu.memref_slice %arg4[%add3A_166] : memref<33554432xf32, #tpu.memory_space<hbm>> -> memref<8192xf32, #tpu.memory_space<hbm>>
      %dma_start3A_168 = tpu.memref_slice %arg4[%add3A_166] : memref<33554432xf32, #tpu.memory_space<hbm>> -> memref<8192xf32, #tpu.memory_space<hbm>>
      tpu.enqueue_dma source(%arg12 : memref<8192xf32, #tpu.memory_space<vmem>>) target(%dma_start3A_168 : memref<8192xf32, #tpu.memory_space<hbm>>) target_semaphore(%arg20 : memref<!tpu.dma_semaphore, #tpu.memory_space<semaphore_mem>>)
      %add3A_169 = arith.constant 4 : i32
      %add3A_170 = arith.addi %add3A_152, %add3A_169 : i32
      %lt3A_171 = arith.constant 128 : i32
      %lt3A_172 = arith.cmpi slt, %add3A_170, %lt3A_171 : i32
      %convert_element_type3A_173 = arith.extui %lt3A_172 : i1 to i32
      %cond3A_174 = arith.constant 0 : i32
      %cond3A_175 = arith.cmpi ne, %convert_element_type3A_173, %cond3A_174 : i32
      scf.if %cond3A_175 {
        %add3A_201 = arith.constant 4 : i32
        %add3A_202 = arith.addi %add3A_152, %add3A_201 : i32
        %mul3A_203 = arith.constant 8192 : i32
        %mul3A_204 = arith.muli %add3A_202, %mul3A_203 : i32
        %add3A_205 = arith.addi %mul3A_4, %mul3A_204 : i32
        %dma_start3A_206 = tpu.memref_slice %arg2[%add3A_205] : memref<33554432xf32, #tpu.memory_space<hbm>> -> memref<8192xf32, #tpu.memory_space<hbm>>
        %dma_start3A_207 = tpu.memref_slice %arg2[%add3A_205] : memref<33554432xf32, #tpu.memory_space<hbm>> -> memref<8192xf32, #tpu.memory_space<hbm>>
        tpu.enqueue_dma source(%dma_start3A_207 : memref<8192xf32, #tpu.memory_space<hbm>>) target(%arg8 : memref<8192xf32, #tpu.memory_space<vmem>>) target_semaphore(%arg16 : memref<!tpu.dma_semaphore, #tpu.memory_space<semaphore_mem>>)
      } else {
      }
      %add3A_176 = arith.constant 3 : i32
      %add3A_177 = arith.addi %add3A_103, %add3A_176 : i32
      %dma_wait3A_178 = arith.constant 0 : i32
      %dma_wait3A_179 = tpu.memref_slice %arg2[%dma_wait3A_178] : memref<33554432xf32, #tpu.memory_space<hbm>> -> memref<8192xf32, #tpu.memory_space<hbm>>
      %dma_wait3A_180 = arith.constant 0 : i32
      %dma_wait3A_181 = tpu.memref_slice %arg2[%dma_wait3A_180] : memref<33554432xf32, #tpu.memory_space<hbm>> -> memref<8192xf32, #tpu.memory_space<hbm>>
      tpu.wait_dma2 semaphore(%arg17 : memref<!tpu.dma_semaphore, #tpu.memory_space<semaphore_mem>>) src(%dma_wait3A_181 : memref<8192xf32, #tpu.memory_space<hbm>>) dst(%arg9 : memref<8192xf32, #tpu.memory_space<vmem>>)
      %dma_wait3A_182 = arith.constant 0 : i32
      %dma_wait3A_183 = tpu.memref_slice %arg4[%dma_wait3A_182] : memref<33554432xf32, #tpu.memory_space<hbm>> -> memref<8192xf32, #tpu.memory_space<hbm>>
      %dma_wait3A_184 = arith.constant 0 : i32
      %dma_wait3A_185 = tpu.memref_slice %arg4[%dma_wait3A_184] : memref<33554432xf32, #tpu.memory_space<hbm>> -> memref<8192xf32, #tpu.memory_space<hbm>>
      tpu.wait_dma2 semaphore(%arg21 : memref<!tpu.dma_semaphore, #tpu.memory_space<semaphore_mem>>) src(%arg13 : memref<8192xf32, #tpu.memory_space<vmem>>) dst(%dma_wait3A_185 : memref<8192xf32, #tpu.memory_space<hbm>>)
      %parallel_loop3A_186 = arith.constant 0 : i32
      %parallel_loop3A_187 = arith.constant 2048 : i32
      %parallel_loop3A_188 = arith.constant 16 : i32
      scf.for %parallel_loop3A_201 = %parallel_loop3A_186 to %parallel_loop3A_187 step %parallel_loop3A_188  : i32 {
        %parallel_loop3A_202 = arith.index_cast %parallel_loop3A_201 : i32 to index
        %parallel_loop3A_203 = tpu.vector_load %arg5[%parallel_loop3A_202] {strides = array<i32>} : memref<2048xi32, #tpu.memory_space<vmem>>, vector<16xi32>,
        %parallel_loop3A_204 = arith.constant 0 : i32
        %parallel_loop3A_205 = vector.broadcast %parallel_loop3A_204 : i32 to vector<16xi32>
        %parallel_loop3A_206 = arith.addi %parallel_loop3A_203, %parallel_loop3A_205 : vector<16xi32>
        %parallel_loop3A_207 = tpu.vector_load_idx %arg9[%parallel_loop3A_206] : memref<8192xf32, #tpu.memory_space<vmem>>[vector<16xi32>], vector<16xf32>,
        %parallel_loop3A_208 = arith.constant 0 : i32
        %parallel_loop3A_209 = arith.addi %parallel_loop3A_208, %parallel_loop3A_201 : i32
        %parallel_loop3A_210 = arith.index_cast %parallel_loop3A_209 : i32 to index
        %parallel_loop3A_211 = tpu.vector_load %arg13[%parallel_loop3A_210] {strides = array<i32>} : memref<8192xf32, #tpu.memory_space<vmem>>, vector<16xf32>,
        tpu.vector_store %arg13[%parallel_loop3A_210], %parallel_loop3A_207 {strides = array<i32>} : memref<8192xf32, #tpu.memory_space<vmem>>, vector<16xf32>,
        %parallel_loop3A_212 = arith.constant 2048 : i32
        %parallel_loop3A_213 = vector.broadcast %parallel_loop3A_212 : i32 to vector<16xi32>
        %parallel_loop3A_214 = arith.addi %parallel_loop3A_203, %parallel_loop3A_213 : vector<16xi32>
        %parallel_loop3A_215 = tpu.vector_load_idx %arg9[%parallel_loop3A_214] : memref<8192xf32, #tpu.memory_space<vmem>>[vector<16xi32>], vector<16xf32>,
        %parallel_loop3A_216 = arith.constant 2048 : i32
        %parallel_loop3A_217 = arith.addi %parallel_loop3A_216, %parallel_loop3A_201 : i32
        %parallel_loop3A_218 = arith.index_cast %parallel_loop3A_217 : i32 to index
        %parallel_loop3A_219 = tpu.vector_load %arg13[%parallel_loop3A_218] {strides = array<i32>} : memref<8192xf32, #tpu.memory_space<vmem>>, vector<16xf32>,
        tpu.vector_store %arg13[%parallel_loop3A_218], %parallel_loop3A_215 {strides = array<i32>} : memref<8192xf32, #tpu.memory_space<vmem>>, vector<16xf32>,
        %parallel_loop3A_220 = arith.constant 4096 : i32
        %parallel_loop3A_221 = vector.broadcast %parallel_loop3A_220 : i32 to vector<16xi32>
        %parallel_loop3A_222 = arith.addi %parallel_loop3A_203, %parallel_loop3A_221 : vector<16xi32>
        %parallel_loop3A_223 = tpu.vector_load_idx %arg9[%parallel_loop3A_222] : memref<8192xf32, #tpu.memory_space<vmem>>[vector<16xi32>], vector<16xf32>,
        %parallel_loop3A_224 = arith.constant 4096 : i32
        %parallel_loop3A_225 = arith.addi %parallel_loop3A_224, %parallel_loop3A_201 : i32
        %parallel_loop3A_226 = arith.index_cast %parallel_loop3A_225 : i32 to index
        %parallel_loop3A_227 = tpu.vector_load %arg13[%parallel_loop3A_226] {strides = array<i32>} : memref<8192xf32, #tpu.memory_space<vmem>>, vector<16xf32>,
        tpu.vector_store %arg13[%parallel_loop3A_226], %parallel_loop3A_223 {strides = array<i32>} : memref<8192xf32, #tpu.memory_space<vmem>>, vector<16xf32>,
        %parallel_loop3A_228 = arith.constant 6144 : i32
        %parallel_loop3A_229 = vector.broadcast %parallel_loop3A_228 : i32 to vector<16xi32>
        %parallel_loop3A_230 = arith.addi %parallel_loop3A_203, %parallel_loop3A_229 : vector<16xi32>
        %parallel_loop3A_231 = tpu.vector_load_idx %arg9[%parallel_loop3A_230] : memref<8192xf32, #tpu.memory_space<vmem>>[vector<16xi32>], vector<16xf32>,
        %parallel_loop3A_232 = arith.constant 6144 : i32
        %parallel_loop3A_233 = arith.addi %parallel_loop3A_232, %parallel_loop3A_201 : i32
        %parallel_loop3A_234 = arith.index_cast %parallel_loop3A_233 : i32 to index
        %parallel_loop3A_235 = tpu.vector_load %arg13[%parallel_loop3A_234] {strides = array<i32>} : memref<8192xf32, #tpu.memory_space<vmem>>, vector<16xf32>,
        tpu.vector_store %arg13[%parallel_loop3A_234], %parallel_loop3A_231 {strides = array<i32>} : memref<8192xf32, #tpu.memory_space<vmem>>, vector<16xf32>,
      } {sc.loop_unroll_factor = 8 : i64, sc.parallel_access}
      %mul3A_189 = arith.constant 8192 : i32
      %mul3A_190 = arith.muli %add3A_177, %mul3A_189 : i32
      %add3A_191 = arith.addi %mul3A_4, %mul3A_190 : i32
      %dma_start3A_192 = tpu.memref_slice %arg4[%add3A_191] : memref<33554432xf32, #tpu.memory_space<hbm>> -> memref<8192xf32, #tpu.memory_space<hbm>>
      %dma_start3A_193 = tpu.memref_slice %arg4[%add3A_191] : memref<33554432xf32, #tpu.memory_space<hbm>> -> memref<8192xf32, #tpu.memory_space<hbm>>
      tpu.enqueue_dma source(%arg13 : memref<8192xf32, #tpu.memory_space<vmem>>) target(%dma_start3A_193 : memref<8192xf32, #tpu.memory_space<hbm>>) target_semaphore(%arg21 : memref<!tpu.dma_semaphore, #tpu.memory_space<semaphore_mem>>)
      %add3A_194 = arith.constant 4 : i32
      %add3A_195 = arith.addi %add3A_177, %add3A_194 : i32
      %lt3A_196 = arith.constant 128 : i32
      %lt3A_197 = arith.cmpi slt, %add3A_195, %lt3A_196 : i32
      %convert_element_type3A_198 = arith.extui %lt3A_197 : i1 to i32
      %cond3A_199 = arith.constant 0 : i32
      %cond3A_200 = arith.cmpi ne, %convert_element_type3A_198, %cond3A_199 : i32
      scf.if %cond3A_200 {
        %add3A_201 = arith.constant 4 : i32
        %add3A_202 = arith.addi %add3A_177, %add3A_201 : i32
        %mul3A_203 = arith.constant 8192 : i32
        %mul3A_204 = arith.muli %add3A_202, %mul3A_203 : i32
        %add3A_205 = arith.addi %mul3A_4, %mul3A_204 : i32
        %dma_start3A_206 = tpu.memref_slice %arg2[%add3A_205] : memref<33554432xf32, #tpu.memory_space<hbm>> -> memref<8192xf32, #tpu.memory_space<hbm>>
        %dma_start3A_207 = tpu.memref_slice %arg2[%add3A_205] : memref<33554432xf32, #tpu.memory_space<hbm>> -> memref<8192xf32, #tpu.memory_space<hbm>>
        tpu.enqueue_dma source(%dma_start3A_207 : memref<8192xf32, #tpu.memory_space<hbm>>) target(%arg9 : memref<8192xf32, #tpu.memory_space<vmem>>) target_semaphore(%arg17 : memref<!tpu.dma_semaphore, #tpu.memory_space<semaphore_mem>>)
      } else {
      }
    }
    %scan3A_82 = arith.constant 31 : i32
    %dma_wait3A_83 = arith.constant 0 : i32
    %dma_wait3A_84 = tpu.memref_slice %arg4[%dma_wait3A_83] : memref<33554432xf32, #tpu.memory_space<hbm>> -> memref<8192xf32, #tpu.memory_space<hbm>>
    %dma_wait3A_85 = arith.constant 0 : i32
    %dma_wait3A_86 = tpu.memref_slice %arg4[%dma_wait3A_85] : memref<33554432xf32, #tpu.memory_space<hbm>> -> memref<8192xf32, #tpu.memory_space<hbm>>
    tpu.wait_dma2 semaphore(%arg18 : memref<!tpu.dma_semaphore, #tpu.memory_space<semaphore_mem>>) src(%arg10 : memref<8192xf32, #tpu.memory_space<vmem>>) dst(%dma_wait3A_86 : memref<8192xf32, #tpu.memory_space<hbm>>)
    %dma_wait3A_87 = arith.constant 0 : i32
    %dma_wait3A_88 = tpu.memref_slice %arg4[%dma_wait3A_87] : memref<33554432xf32, #tpu.memory_space<hbm>> -> memref<8192xf32, #tpu.memory_space<hbm>>
    %dma_wait3A_89 = arith.constant 0 : i32
    %dma_wait3A_90 = tpu.memref_slice %arg4[%dma_wait3A_89] : memref<33554432xf32, #tpu.memory_space<hbm>> -> memref<8192xf32, #tpu.memory_space<hbm>>
    tpu.wait_dma2 semaphore(%arg19 : memref<!tpu.dma_semaphore, #tpu.memory_space<semaphore_mem>>) src(%arg11 : memref<8192xf32, #tpu.memory_space<vmem>>) dst(%dma_wait3A_90 : memref<8192xf32, #tpu.memory_space<hbm>>)
    %dma_wait3A_91 = arith.constant 0 : i32
    %dma_wait3A_92 = tpu.memref_slice %arg4[%dma_wait3A_91] : memref<33554432xf32, #tpu.memory_space<hbm>> -> memref<8192xf32, #tpu.memory_space<hbm>>
    %dma_wait3A_93 = arith.constant 0 : i32
    %dma_wait3A_94 = tpu.memref_slice %arg4[%dma_wait3A_93] : memref<33554432xf32, #tpu.memory_space<hbm>> -> memref<8192xf32, #tpu.memory_space<hbm>>
    tpu.wait_dma2 semaphore(%arg20 : memref<!tpu.dma_semaphore, #tpu.memory_space<semaphore_mem>>) src(%arg12 : memref<8192xf32, #tpu.memory_space<vmem>>) dst(%dma_wait3A_94 : memref<8192xf32, #tpu.memory_space<hbm>>)
    %dma_wait3A_95 = arith.constant 0 : i32
    %dma_wait3A_96 = tpu.memref_slice %arg4[%dma_wait3A_95] : memref<33554432xf32, #tpu.memory_space<hbm>> -> memref<8192xf32, #tpu.memory_space<hbm>>
    %dma_wait3A_97 = arith.constant 0 : i32
    %dma_wait3A_98 = tpu.memref_slice %arg4[%dma_wait3A_97] : memref<33554432xf32, #tpu.memory_space<hbm>> -> memref<8192xf32, #tpu.memory_space<hbm>>
    tpu.wait_dma2 semaphore(%arg21 : memref<!tpu.dma_semaphore, #tpu.memory_space<semaphore_mem>>) src(%arg13 : memref<8192xf32, #tpu.memory_space<vmem>>) dst(%dma_wait3A_98 : memref<8192xf32, #tpu.memory_space<hbm>>)
    return
  }
}

</mosaic_0001>

<sc_bundles>
// kernel: kernel.3.cloned.1.call-start
scs
__scs_entry_jumppad:
0x0: {  	(pc) =	sbr.rel $0x88, $3  }
0x1: {  	(tag) =	ssettag $0x0;
	lr =	simm.s32 $0x1  }
0x2: {  	[smem:$0x3F9F] =	sst lr;
	_ =	strace $0xD0000000  }
0x3: {  	_ = 	snop  }
0x4: {  	_ = 	snop  }
0x5: {  	_ = 	snop  }
0x6: {  	_ = 	snop  }
0x7: {  	_ = 	snop  }
__scs_overlays_trampoline_lowered:
0x8: {  	[smem:$0x3FAE] =	sst s0  }
0x9: {  	[smem:$0x3FAF] =	sst s1  }
0xa: {  	[smem:$0x3FB0] =	sst s2  }
0xb: {  	[smem:$0x3FB1] =	sst s3  }
0xc: {  	[smem:$0x3FB2] =	sst s4  }
0xd: {  	[smem:$0x3FB3] =	sst s5  }
0xe: {  	[smem:$0x3FB4] =	sst s6  }
0xf: {  	[smem:$0x3FB5] =	sst s7  }
0x10: {  	[smem:$0x3FB6] =	sst s8  }
0x11: {  	[smem:$0x3FB7] =	sst s9;
	s0 =	simm.s32 @!p0 $0x0  }
0x12: {  	s1 =	sld [smem:$0x3F9D];
	s0 =	simm.s32 @p0 $0x1  }
0x13: {  	[smem:$0x3FB8] =	sst s0;
	s0 =	simm.s32 @!p1 $0x0  }
0x14: {  	s2 =	sld [smem:$0x3F9C];
	s0 =	simm.s32 @p1 $0x1  }
0x15: {  	[smem:$0x3FB9] =	sst s0;
	s0 =	simm.s32 @!p2 $0x0  }
0x16: {  	s3 =	sld [smem:$0x3FDB];
	s0 =	simm.s32 @p2 $0x1  }
0x17: {  	s4 =	simm.s32 $0x1BF5;
	[smem:$0x3FBB] =	sst s0  }
0x18: {  	s0 =	sld [smem:$0x3F9E];
	_ =	swait.ge [sflag:s4], $0x0  }
0x19: {  	s7 =	sld [smem:$0x3F9F]  }
0x1a: {  	s8 =	sadd.s32 $0xFFFFE003, lr  }
0x1b: {  	s9 =	sadd.s32 $0xFFFFFEF7, lr;
	s5 =	simm.s32 $0xFFFFFFFF;
	p2 =	slt.u32 s8, $0xFFFFF086  }
0x1c: {  	p1 =	slt.u32 s9, $0xF7A;
	s5 =	simm.s32 @!p2 $0x0  }
0x1d: {  	s5 =	simm.s32 @p1 $0x1;
	p0 =	seq.s32 s7, s2  }
0x1e: {  	s7 =	smul.u32 @!p0 $0xF7A, s2;
	p2 =	seq.s32 @!p0 s5, $0x0  }
0x1f: {  	s9 =	smul.u32 $0xF7A, s1;
	s8 =	simm.s32 @!p0 $0x1BF5;
	p2 =	por !p2, p0  }
0x20: {  	[sflag:s8] =	ssyncset.s32 @!p0 $0xFFFFF086;
	s6 =	sadd.s32 @!p0 s3, s7;
	s7 =	simm.s32 @!p0 $0x108  }
0x21: {  	s3 =	sadd.s32 s3, s9;
	s6 =	sadd.s32 @!p0 $0x88, s6;
	s7 =	simm.s32 @p2 $0x1082  }
0x22: {  	[simem:s7], [sflag:s8] =	dma.local @!p0 [hbm:s6], $0xF7A  }
0x23: {  	s9 =	sor.u32 $0xD0000000, s2;
	s6 =	simm.s32 $0x108;
	_ =	swait.ge @!p0 [sflag:s8], $0x0  }
0x24: {  	s3 =	sadd.s32 $0x88, s3;
	s6 =	simm.s32 @!p1 $0x1082;
	[sflag:s4] =	ssyncset.s32 $0xFFFFF086  }
0x25: {  	[simem:s6], [sflag:s4] =	dma.local [hbm:s3], $0xF7A  }
0x26: {  	[smem:$0x3F9F] =	sst s1;
	(tag) =	ssettag s2;
	_ =	strace s9  }
0x27: {  	s1 =	sld [smem:$0x3FAF]  }
0x28: {  	s2 =	sld [smem:$0x3FB0]  }
0x29: {  	s4 =	sld [smem:$0x3FB2]  }
0x2a: {  	p0 =	seq.s32 s5, $0x0;
	s5 =	sld [smem:$0x3FB3]  }
0x2b: {  	s6 =	sld [smem:$0x3FB4]  }
0x2c: {  	s7 =	sld [smem:$0x3FB5]  }
0x2d: {  	s3 =	simm.s32 $0x108;
	s8 =	sld [smem:$0x3FB6]  }
0x2e: {  	s3 =	simm.s32 @!p0 $0x1082;
	s9 =	sld [smem:$0x3FB7]  }
0x2f: {  	lr =	sadd.s32 s0, s3;
	s0 =	sld [smem:$0x3FAE]  }
0x30: {  	s3 =	sld [smem:$0x3FB1]  }
0x31: {  	[smem:$0x3FBA] =	sst s10  }
0x32: {  	s10 =	sld [smem:$0x3FB8];
	_ =	sdelay $0x3  }
0x33: {  	p0 =	seq.s32 s10, $0x1;
	s10 =	sld [smem:$0x3FBA];
	_ =	sdelay $0x3  }
0x34: {  	[smem:$0x3FBA] =	sst s10  }
0x35: {  	s10 =	sld [smem:$0x3FB9];
	_ =	sdelay $0x3  }
0x36: {  	p1 =	seq.s32 s10, $0x1;
	s10 =	sld [smem:$0x3FBA];
	_ =	sdelay $0x3  }
0x37: {  	[smem:$0x3FBA] =	sst s10  }
0x38: {  	s10 =	sld [smem:$0x3FBB]  }
0x39: {  	_ = 	snop;
	(pc) =	sbr.ind lr, $3  }
0x3a: {  	_ = 	snop  }
0x3b: {  	_ = 	snop  }
0x3c: {  	p2 =	seq.s32 s10, $0x1;
	s10 =	sld [smem:$0x3FBA]  }
0x3d: {  	_ =	shalt  }
0x3e: {  	_ =	shalt  }
0x3f: {  	_ =	shalt  }
0x40: {  	_ =	shalt  }
0x41: {  	_ =	shalt  }
0x42: {  	_ =	shalt  }
0x43: {  	_ =	shalt  }
0x44: {  	_ =	shalt  }
0x45: {  	_ =	shalt  }
0x46: {  	_ =	shalt  }
0x47: {  	_ =	shalt  }
0x48: {  	_ =	shalt  }
0x49: {  	_ =	shalt  }
0x4a: {  	_ =	shalt  }
0x4b: {  	_ =	shalt  }
0x4c: {  	_ =	shalt  }
0x4d: {  	_ =	shalt  }
0x4e: {  	_ =	shalt  }
0x4f: {  	_ =	shalt  }
0x50: {  	_ =	shalt  }
0x51: {  	_ =	shalt  }
0x52: {  	_ =	shalt  }
0x53: {  	_ =	shalt  }
0x54: {  	_ =	shalt  }
0x55: {  	_ =	shalt  }
0x56: {  	_ =	shalt  }
0x57: {  	_ =	shalt  }
0x58: {  	_ =	shalt  }
0x59: {  	_ =	shalt  }
0x5a: {  	_ =	shalt  }
0x5b: {  	_ =	shalt  }
0x5c: {  	_ =	shalt  }
0x5d: {  	_ =	shalt  }
0x5e: {  	_ =	shalt  }
0x5f: {  	_ =	shalt  }
0x60: {  	_ =	shalt  }
0x61: {  	_ =	shalt  }
0x62: {  	_ =	shalt  }
0x63: {  	_ =	shalt  }
0x64: {  	_ =	shalt  }
0x65: {  	_ =	shalt  }
0x66: {  	_ =	shalt  }
0x67: {  	_ =	shalt  }
0x68: {  	_ =	shalt  }
0x69: {  	_ =	shalt  }
0x6a: {  	_ =	shalt  }
0x6b: {  	_ =	shalt  }
0x6c: {  	_ =	shalt  }
0x6d: {  	_ =	shalt  }
0x6e: {  	_ =	shalt  }
0x6f: {  	_ =	shalt  }
0x70: {  	_ =	shalt  }
0x71: {  	_ =	shalt  }
0x72: {  	_ =	shalt  }
0x73: {  	_ =	shalt  }
0x74: {  	_ =	shalt  }
0x75: {  	_ =	shalt  }
0x76: {  	_ =	shalt  }
0x77: {  	_ =	shalt  }
0x78: {  	_ =	shalt  }
0x79: {  	_ =	shalt  }
0x7a: {  	_ =	shalt  }
0x7b: {  	_ =	shalt  }
0x7c: {  	_ =	shalt  }
0x7d: {  	_ =	shalt  }
0x7e: {  	_ =	shalt  }
0x7f: {  	_ =	shalt  }
0x80: {  	_ =	shalt  }
0x81: {  	_ =	shalt  }
0x82: {  	_ =	shalt  }
0x83: {  	_ =	shalt  }
0x84: {  	_ =	shalt  }
0x85: {  	_ =	shalt  }
0x86: {  	_ =	shalt  }
0x87: {  	_ =	shalt  }
.Lfunc_end0:
.L_simem_size_0:
called_computation.1_lowered:
.L_overlay_start_0:
0x88: {  	s2 =	sld [smem:$0x3FD9]  }
0x89: {  	s3 =	sld [smem:$0x3FFE];
	_ =	sdelay $0x1  }
0x8a: {  	s1 =	srdreg.scid  }
0x8b: {  	s0 =	sand.u32 $0x1, s1  }
0x8c: {  	s17 =	sshll.u32 s0, $0xA;
	s2 =	sadd.s32 s3, s2  }
0x8d: {  	s2 =	sadd.s32 s2, s17  }
0x8e: {  	[smem:$0x3FC6] =	sst s2  }
0x8f: {  	_ = 	snop  }
0x90: {  	s2 =	sld [smem:$0x3FC8]  }
0x91: {  	s18 =	sld [smem:$0x3FD0];
	(tm) =	ssettm $0x1  }
0x92: {  	s4 =	sld [smem:$0x3FFB];
	_ =	sdelay $0x3  }
0x93: {  	_ =	strace s4  }
0x94: {  	s4 =	sld [smem:$0x3FFC];
	_ =	sdelay $0x3  }
0x95: {  	_ =	strace s4  }
0x96: {  	s4 =	sld [smem:$0x3FFD];
	_ =	sdelay $0x3  }
0x97: {  	_ =	strace s4  }
0x98: {  	_ =	strace $0x8FFFFFFF  }
0x99: {  	s19 =	sld [smem:$0x3FDB];
	_ =	sdelay $0x1  }
0x9a: {  	s5 =	simm.s32 $_scs_section_size  }
0x9b: {  	s6 =	simm.s32 $_size__tile_overlayer_lowered;
	s7 =	simm.s32 $_tile_overlayer_lowered  }
0x9c: {  	s22 =	simm.s32 $0x1BFF;
	s21 =	sshll.u32 s7, $0x1;
	s4 =	sadd.s32 s5, s19  }
0x9d: {  	s8 =	simm.s32 $0x0;
	s20 =	sshll.u32 s6, $0x1;
	s6 =	sadd.s32 s21, s4  }
0x9e: {  	[timem:s8], [sflag:s22] =	dma.local [hbm:s6], s20  }
0x9f: {  	_ =	swait.ge [sflag:s22], s20  }
0xa0: {  	s5 =	ssub.s32 $0x0, s20;
	[sflag:s22] =	ssyncset.done $0x0  }
0xa1: {  	[sflag:s22] =	ssyncadd.s32 s5;
	_ =	sdelay $0x1  }
0xa2: {  	s23 =	simm.s32 $0x1B8B  }
0xa3: {  	_ =	swait.ge [sflag:s23], $0x1  }
0xa4: {  	[sflag:s23] =	ssyncset.done $0x0  }
0xa5: {  	s25 =	simm.s32 $0x1B8E;
	s24 =	sld [smem:$0x3FFE];
	[sflag:s23] =	ssyncadd.s32 $0xFFFFFFFF  }
0xa6: {  	s26 =	simm.s32 $execute0_lowered;
	[smem:$0x3FD2] =	sst s25  }
0xa7: {  	s6 =	sshll.u32 s26, $0x1;
	_ =	strace $0x80000049;
	[dreg:$0x1] =	wrdreg $0xFFFFFFFF  }
0xa8: {  	s28 =	simm.s32 $_size_execute0_lowered;
	s4 =	sadd.s32 s4, s6;
	[dreg:$0x0] =	wrdreg $0x0  }
0xa9: {  	s6 =	sshll.u32 s28, $0x1;
	[dreg:$0x2] =	wrdreg s4  }
0xaa: {  	[dreg:$0x3] =	wrdreg s6  }
0xab: {  	[dreg:$0x4] =	wrdreg $0xC0  }
0xac: {  	_ =	task [dreg:s8], $0x5FFFF  }
0xad: {  	[dreg:$0x1] =	wrdreg $0xFFFFFFFF  }
0xae: {  	[dreg:$0x0] =	wrdreg $0x60  }
0xaf: {  	[dreg:$0x2] =	wrdreg s18  }
0xb0: {  	[dreg:$0x3] =	wrdreg s2  }
0xb1: {  	[dreg:$0x4] =	wrdreg s24  }
0xb2: {  	[dreg:$0x5] =	wrdreg $0x9  }
0xb3: {  	_ =	task.clear_ibuf [dreg:s8], $0x6FFFF;
	_ =	strace $0x90000049  }
0xb4: {  	s29 =	simm.s32 $0x9;
	_ =	strace $0x8000004B  }
0xb5: {  	_ =	swait.ge [sflag:s29], $0x1  }
0xb6: {  	[sflag:s29] =	ssyncadd.s32 $0xFFFFFFFF  }
0xb7: {  	_ =	strace $0x9000004B  }
0xb8: {  	_ =	sfence  }
0xb9: {  	s30 =	sld [smem:$0x0];
	_ =	sdelay $0x2  }
0xba: {  	s31 =	sshll.u32 s1, $0xD;
	s1 =	sshrl.u32 s1, $0x2  }
0xbb: {  	s3 =	sand.u32 $0x4000, s31;
	s1 =	sadd.s32 s1, s30  }
0xbc: {  	s0 =	sor.u32 s3, s0;
	s1 =	sshll.u32 s1, $0x11  }
0xbd: {  	s0 =	sor.u32 s1, s0  }
0xbe: {  	s0 =	sadd.s32 $0x8F2B, s0  }
0xbf: {  	[sflag:s0] =	ssyncadd.remote.s32 $0x1  }
0xc0: {  	_ =	sfence.sel $0xFFFF  }
0xc1: {  	[dreg:$0x0] =	wrdreg $0xFFFFFFFF;
	(pc) =	sbr.abs _section_cstart, $3  }
0xc2: {  	[dreg:$0x1] =	wrdreg $0xFFFFFFFF  }
0xc3: {  	_ =	task.clear_ibuf [dreg:s8], $0x2FFFF;
	_ =	strace $0x9FFFFFFF  }
0xc4: {  	(tm) =	ssettm $0x7FFFFFFF  }
0xc5: {  	_ =	shalt  }
tec
execute0_lowered:
.L_overlay_start_1:
0x0: {  	(tag) =	ssettag $0x1  }
0x1: {  	s1 =	rddreg [dreg:$0x0]  }
0x2: {  	s0 =	rddreg [dreg:$0x2];
	s4 =	simm.s32 $0x0;
	s2 =	srdreg.scid  }
0x3: {  	s5 =	stileid.u32;
	s28 =	simm.s32 $0x800;
	s29 =	simm.s32 $0x2800  }
0x4: {  	s30 =	simm.s32 $0x4800;
	s31 =	simm.s32 $0x6800;
	s11 =	simm.s32 $0x4  }
0x5: {  	s12 =	simm.s32 $0xE800;
	s13 =	simm.s32 $0x5;
	s2 =	sand.u32 $0x1, s2  }
0x6: {  	s5 =	sshll.u32 s5, $0x15;
	s3 =	ssub.s32 $0x2, s2;
	s2 =	sshll.u32 s2, $0x14  }
0x7: {  	s14 =	simm.s32 $0x6;
	[smem:$0x7FF] =	sst s4;
	s2 =	sor.u32 s2, s5  }
0x8: {  	s6 =	sshrl.u32 s3, $0x1;
	s5 =	sadd.s32 $0x800, s0;
	s16 =	sshrl.u32 s2, $0x3  }
0x9: {  	_ =	strace $0x8000004A;
	s15 =	ssub.s32 s3, s6;
	s3 =	sadd.s32 s5, s16  }
0xa: {  	s9 =	sadd.s32 s1, s16;
	s0 =	smax.u32 s15, $0x1;
	[dreg:$0x8] =	wrdreg s3  }
0xb: {  	s17 =	sor.u32 $0x400, s16;
	s7 =	sor.u32 $0x800, s16;
	[dreg:$0xf] =	wrdreg s0  }
0xc: {  	s19 =	sor.u32 $0xC00, s16;
	s8 =	sadd.s32 s1, s17;
	[dreg:$0x4] =	wrdreg s9  }
0xd: {  	s15 =	simm.s32 $0x7;
	s18 =	sadd.s32 s1, s7;
	[dreg:$0x5] =	wrdreg s8  }
0xe: {  	s16 =	simm.s32 $0x8;
	s10 =	sadd.s32 s1, s19;
	[dreg:$0x6] =	wrdreg s18  }
0xf: {  	s20 =	sadd.s32 $0x1000, s9;
	s21 =	sadd.s32 s5, s17;
	[dreg:$0x7] =	wrdreg s10  }
0x10: {  	s22 =	sadd.s32 $0x1400, s9;
	s23 =	sadd.s32 s5, s7;
	[dreg:$0x9] =	wrdreg s20  }
0x11: {  	s24 =	sadd.s32 $0x1800, s9;
	s25 =	sadd.s32 s5, s19;
	[dreg:$0xa] =	wrdreg s21  }
0x12: {  	s17 =	sor.u32 $0x8000, s2;
	s19 =	sor.u32 $0xA000, s2;
	[dreg:$0xb] =	wrdreg s22  }
0x13: {  	s26 =	sadd.s32 $0x1C00, s9;
	s3 =	simm.s32 $0x1;
	[dreg:$0xc] =	wrdreg s23  }
.Ltmp0:
0x14: {  	s7 =	simm.s32 $0x2;
	[dreg:$0xd] =	wrdreg s24;
	(pc) =	sbr.rel .LBB2_1-.Ltmp0, $4  }
0x15: {  	s9 =	simm.s32 $0x3;
	[dreg:$0xe] =	wrdreg s25;
	s18 =	sor.u32 $0x10000, s2  }
0x16: {  	s20 =	sor.u32 $0x12000, s2;
	s21 =	sor.u32 $0xC000, s2;
	s22 =	sor.u32 $0x14000, s2  }
0x17: {  	s23 =	sor.u32 $0xE000, s2;
	s24 =	sor.u32 $0x16000, s2;
	[dreg:$0x10] =	wrdreg s26  }
0x18: {  	s8 =	simm.s32 $0xA800;
	s10 =	simm.s32 $0xC800;
	s2 =	simm.s32 $0x0  }
.LBB2_20:
0x19: {  	_ =	swait.ge [sflag:s13], $0x2000  }
0x1a: {  	[sflag:s13] =	ssyncset.done $0x0  }
0x1b: {  	[sflag:s13] =	ssyncadd.s32 $0xFFFFE000  }
0x1c: {  	_ =	swait.ge [sflag:s14], $0x2000  }
0x1d: {  	[sflag:s14] =	ssyncset.done $0x0  }
0x1e: {  	[sflag:s14] =	ssyncadd.s32 $0xFFFFE000  }
0x1f: {  	_ =	swait.ge [sflag:s15], $0x2000  }
0x20: {  	[sflag:s15] =	ssyncset.done $0x0  }
0x21: {  	[sflag:s15] =	ssyncadd.s32 $0xFFFFE000  }
0x22: {  	_ =	swait.ge [sflag:s16], $0x2000  }
0x23: {  	s2 =	rddreg [dreg:$0x11]  }
0x24: {  	s0 =	rddreg [dreg:$0xf];
	s2 =	sadd.s32 $0x1, s2  }
0x25: {  	p0 =	sne.s32 s2, s0  }
.Ltmp1:
0x26: {  	_ = 	snop;
	(pc) =	sbr.rel @!p0 .LBB2_21-.Ltmp1, $3  }
0x27: {  	_ =	sdelay $0x1  }
0x28: {  	[sflag:s16] =	ssyncset.done $0x0  }
0x29: {  	[sflag:s16] =	ssyncadd.s32 $0xFFFFE000  }
.LBB2_1:
0x2a: {  	[dreg:$0x11] =	wrdreg s2  }
0x2b: {  	s0 =	rddreg [dreg:$0x4]  }
0x2c: {  	[tilespmem:s28], [sflag:$0x1] =	stream.linear.gather [hbm4b:s0+s4], $0x2000, $0x38;
	[tilespmem:$0x10800] =	vst v63  }
0x2d: {  	s25 =	rddreg [dreg:$0x5]  }
0x2e: {  	[tilespmem:s29], [sflag:$0x2] =	stream.linear.gather [hbm4b:s25+s4], $0x2000, $0x38;
	[tilespmem:$0x10800] =	vst v63  }
0x2f: {  	s26 =	rddreg [dreg:$0x6]  }
0x30: {  	[tilespmem:s30], [sflag:$0x3] =	stream.linear.gather [hbm4b:s26+s4], $0x2000, $0x38;
	[tilespmem:$0x10800] =	vst v63  }
0x31: {  	s2 =	rddreg [dreg:$0x7]  }
0x32: {  	[tilespmem:s31], [sflag:$0x4] =	stream.linear.gather [hbm4b:s2+s4], $0x2000, $0x38;
	[tilespmem:$0x10800] =	vst v63  }
0x33: {  	s6 =	rddreg [dreg:$0x1];
	s25 =	simm.s32 $0x9  }
0x34: {  	[tilespmem:s4], [sflag:$0x9] =	stream.linear.gather [hbm4b:s6+s4], $0x800, $0x38;
	[tilespmem:$0x10800] =	vst v63  }
0x35: {  	_ =	swait.ge [sflag:s25], $0x800  }
0x36: {  	[sflag:s25] =	ssyncset.done $0x0  }
0x37: {  	[sflag:s25] =	ssyncadd.s32 $0xFFFFF800  }
0x38: {  	_ =	swait.ge [sflag:s3], $0x2000  }
0x39: {  	[sflag:s3] =	ssyncset.done $0x0  }
0x3a: {  	s26 =	simm.s32 $0x40;
	[sflag:s3] =	ssyncadd.s32 $0xFFFFE000  }
0x3b: {  	v0 =	vld [tilespmem:s26+$0x30]  }
0x3c: {  	v1 =	vld [tilespmem:s26+$0xFFFFFFD0]  }
0x3d: {  	v2 =	vld [tilespmem:s26+$0xFFFFFFE0]  }
0x3e: {  	v3 =	vld [tilespmem:s26+$0xFFFFFFF0]  }
0x3f: {  	v4 =	vld [tilespmem:s26+$0x0]  }
0x40: {  	v5 =	vld [tilespmem:s26+$0x10]  }
0x41: {  	v6 =	vld [tilespmem:s26+$0x20]  }
0x42: {  	v7 =	vld [tilespmem:s26+$0xFFFFFFC0]  }
0x43: {  	v8 =	vld.idx.msk [tilespmem:v0+s28+$0x0], $0xffff  }
0x44: {  	v9 =	vld.idx.msk [tilespmem:v1+s28+$0x0], $0xffff  }
0x45: {  	v10 =	vld.idx.msk [tilespmem:v2+s28+$0x0], $0xffff  }
0x46: {  	v11 =	vadd.s32 $0x800, v0;
	v12 =	vld.idx.msk [tilespmem:v3+s28+$0x0], $0xffff  }
0x47: {  	v13 =	vadd.s32 $0x800, v1;
	v14 =	vld.idx.msk [tilespmem:v4+s28+$0x0], $0xffff  }
0x48: {  	s0 =	simm.s32 $0x9800;
	v15 =	vadd.s32 $0x800, v2;
	v16 =	vld.idx.msk [tilespmem:v5+s28+$0x0], $0xffff  }
0x49: {  	v17 =	vadd.s32 $0x800, v3;
	v18 =	vld.idx.msk [tilespmem:v6+s28+$0x0], $0xffff;
	[tilespmem:s0+$0xFFFFF070] =	vst v8  }
0x4a: {  	v44 =	vadd.s32 $0x800, v4;
	v19 =	vld.idx.msk [tilespmem:v7+s28+$0x0], $0xffff;
	[tilespmem:s0+$0xFFFFF010] =	vst v9  }
0x4b: {  	v46 =	vadd.s32 $0x800, v5;
	[tilespmem:s0+$0xFFFFF020] =	vst v10;
	v45 =	vld.idx.msk [tilespmem:v11+s28+$0x0], $0xffff  }
0x4c: {  	v49 =	vadd.s32 $0x800, v7;
	[tilespmem:s0+$0xFFFFF030] =	vst v12;
	v47 =	vld.idx.msk [tilespmem:v13+s28+$0x0], $0xffff  }
0x4d: {  	v50 =	vadd.s32 $0x800, v6;
	[tilespmem:s0+$0xFFFFF040] =	vst v14;
	v15 =	vld.idx.msk [tilespmem:v15+s28+$0x0], $0xffff  }
0x4e: {  	v48 =	vadd.s32 $0x1000, v0;
	[tilespmem:s0+$0xFFFFF050] =	vst v16;
	v17 =	vld.idx.msk [tilespmem:v17+s28+$0x0], $0xffff  }
0x4f: {  	v51 =	vadd.s32 $0x1000, v1;
	[tilespmem:s0+$0xFFFFF060] =	vst v18;
	v8 =	vld.idx.msk [tilespmem:v44+s28+$0x0], $0xffff  }
0x50: {  	v52 =	vadd.s32 $0x1000, v2;
	[tilespmem:s0+$0xFFFFF000] =	vst v19;
	v11 =	vld.idx.msk [tilespmem:v46+s28+$0x0], $0xffff  }
0x51: {  	v53 =	vadd.s32 $0x1000, v3;
	v13 =	vld.idx.msk [tilespmem:v49+s28+$0x0], $0xffff;
	[tilespmem:s0+$0xFFFFF870] =	vst v45  }
0x52: {  	v54 =	vadd.s32 $0x1000, v4;
	v55 =	vld.idx.msk [tilespmem:v50+s28+$0x0], $0xffff;
	[tilespmem:s0+$0xFFFFF810] =	vst v47  }
0x53: {  	v56 =	vadd.s32 $0x1000, v7;
	[tilespmem:s0+$0xFFFFF820] =	vst v15;
	v12 =	vld.idx.msk [tilespmem:v48+s28+$0x0], $0xffff  }
0x54: {  	v58 =	vadd.s32 $0x1000, v5;
	[tilespmem:s0+$0xFFFFF830] =	vst v17;
	v57 =	vld.idx.msk [tilespmem:v51+s28+$0x0], $0xffff  }
0x55: {  	v60 =	vadd.s32 $0x1000, v6;
	[tilespmem:s0+$0xFFFFF840] =	vst v8;
	v59 =	vld.idx.msk [tilespmem:v52+s28+$0x0], $0xffff  }
0x56: {  	v0 =	vadd.s32 $0x1800, v0;
	[tilespmem:s0+$0xFFFFF850] =	vst v11;
	v9 =	vld.idx.msk [tilespmem:v53+s28+$0x0], $0xffff  }
0x57: {  	v1 =	vadd.s32 $0x1800, v1;
	[tilespmem:s0+$0xFFFFF800] =	vst v13;
	v61 =	vld.idx.msk [tilespmem:v54+s28+$0x0], $0xffff  }
0x58: {  	v2 =	vadd.s32 $0x1800, v2;
	[tilespmem:s0+$0xFFFFF860] =	vst v55;
	v13 =	vld.idx.msk [tilespmem:v56+s28+$0x0], $0xffff  }
0x59: {  	v3 =	vadd.s32 $0x1800, v3;
	v62 =	vld.idx.msk [tilespmem:v58+s28+$0x0], $0xffff;
	[tilespmem:s0+$0x70] =	vst v12  }
0x5a: {  	v4 =	vadd.s32 $0x1800, v4;
	v8 =	vld.idx.msk [tilespmem:v60+s28+$0x0], $0xffff;
	[tilespmem:s0+$0x10] =	vst v57  }
0x5b: {  	v7 =	vadd.s32 $0x1800, v7;
	[tilespmem:s0+$0x20] =	vst v59;
	v12 =	vld.idx.msk [tilespmem:v0+s28+$0x0], $0xffff  }
0x5c: {  	v5 =	vadd.s32 $0x1800, v5;
	[tilespmem:s0+$0x30] =	vst v9;
	v63 =	vld.idx.msk [tilespmem:v1+s28+$0x0], $0xffff  }
0x5d: {  	v6 =	vadd.s32 $0x1800, v6;
	[tilespmem:s0+$0x40] =	vst v61;
	v0 =	vld.idx.msk [tilespmem:v2+s28+$0x0], $0xffff  }
0x5e: {  	[tilespmem:s0+$0x0] =	vst v13;
	v1 =	vld.idx.msk [tilespmem:v3+s28+$0x0], $0xffff  }
0x5f: {  	[tilespmem:s0+$0x50] =	vst v62;
	v3 =	vld.idx.msk [tilespmem:v4+s28+$0x0], $0xffff  }
0x60: {  	[tilespmem:s0+$0x60] =	vst v8;
	v2 =	vld.idx.msk [tilespmem:v7+s28+$0x0], $0xffff  }
0x61: {  	v4 =	vld.idx.msk [tilespmem:v5+s28+$0x0], $0xffff;
	[tilespmem:s0+$0x870] =	vst v12  }
0x62: {  	s6 =	simm.s32 $0x0;
	s25 =	simm.s32 $0xC0;
	v5 =	vld.idx.msk [tilespmem:v6+s28+$0x0], $0xffff;
	[tilespmem:s0+$0x810] =	vst v63  }
.LBB2_2:
0x63: {  	v6 =	vld [tilespmem:s25+$0x30];
	s6 =	sadd.s32 $0x80, s6;
	[tilespmem:s0+$0x820] =	vst v0  }
0x64: {  	v0 =	vld [tilespmem:s25+$0xFFFFFFD0];
	p0 =	slt.u32 s6, $0x780;
	[tilespmem:s0+$0x830] =	vst v1  }
0x65: {  	v1 =	vld [tilespmem:s25+$0xFFFFFFE0];
	[tilespmem:s0+$0x840] =	vst v3  }
0x66: {  	v3 =	vld [tilespmem:s25+$0xFFFFFFF0];
	[tilespmem:s0+$0x800] =	vst v2  }
0x67: {  	v2 =	vld [tilespmem:s25+$0x0];
	[tilespmem:s0+$0x850] =	vst v4  }
0x68: {  	v4 =	vld [tilespmem:s25+$0x10];
	[tilespmem:s0+$0x860] =	vst v5  }
0x69: {  	v5 =	vadd.s32 $0x800, v0;
	v7 =	vadd.s32 $0x1000, v0;
	v8 =	vadd.s32 $0x1800, v0;
	v9 =	vld [tilespmem:s25+$0x20]  }
0x6a: {  	v10 =	vld [tilespmem:s25+$0xFFFFFFC0];
	v11 =	vadd.s32 $0x800, v1;
	v12 =	vadd.s32 $0x1000, v1;
	v13 =	vadd.s32 $0x1800, v1  }
0x6b: {  	v14 =	vadd.s32 $0x800, v3;
	v15 =	vadd.s32 $0x1000, v3;
	v16 =	vadd.s32 $0x1800, v3;
	v17 =	vld.idx.msk [tilespmem:v6+s28+$0x0], $0xffff  }
0x6c: {  	v0 =	vld.idx.msk [tilespmem:v0+s28+$0x0], $0xffff;
	v18 =	vadd.s32 $0x800, v2;
	v19 =	vadd.s32 $0x1000, v2;
	v20 =	vadd.s32 $0x1800, v2  }
0x6d: {  	v23 =	vadd.s32 $0x800, v6;
	v1 =	vld.idx.msk [tilespmem:v1+s28+$0x0], $0xffff;
	v21 =	vadd.s32 $0x800, v4;
	v22 =	vadd.s32 $0x1000, v4  }
0x6e: {  	v24 =	vadd.s32 $0x1800, v4;
	v3 =	vld.idx.msk [tilespmem:v3+s28+$0x0], $0xffff;
	v25 =	vadd.s32 $0x800, v9;
	v26 =	vadd.s32 $0x1000, v9  }
0x6f: {  	v27 =	vadd.s32 $0x800, v10;
	v28 =	vadd.s32 $0x1000, v10;
	v29 =	vadd.s32 $0x1800, v10;
	v2 =	vld.idx.msk [tilespmem:v2+s28+$0x0], $0xffff  }
0x70: {  	s0 =	sadd.s32 $0x80, s0;
	v30 =	vadd.s32 $0x1800, v9;
	v4 =	vld.idx.msk [tilespmem:v4+s28+$0x0], $0xffff  }
0x71: {  	v9 =	vld.idx.msk [tilespmem:v9+s28+$0x0], $0xffff;
	[tilespmem:s0+$0xFFFFF070] =	vst v17  }
0x72: {  	[tilespmem:s0+$0xFFFFF010] =	vst v0;
	v0 =	vld.idx.msk [tilespmem:v23+s28+$0x0], $0xffff  }
0x73: {  	v10 =	vld.idx.msk [tilespmem:v10+s28+$0x0], $0xffff;
	[tilespmem:s0+$0xFFFFF020] =	vst v1  }
0x74: {  	v1 =	vld.idx.msk [tilespmem:v5+s28+$0x0], $0xffff;
	[tilespmem:s0+$0xFFFFF030] =	vst v3;
	v3 =	vadd.s32 $0x1000, v6  }
0x75: {  	v5 =	vld.idx.msk [tilespmem:v11+s28+$0x0], $0xffff;
	[tilespmem:s0+$0xFFFFF040] =	vst v2  }
0x76: {  	v2 =	vld.idx.msk [tilespmem:v14+s28+$0x0], $0xffff;
	[tilespmem:s0+$0xFFFFF050] =	vst v4  }
0x77: {  	v4 =	vld.idx.msk [tilespmem:v18+s28+$0x0], $0xffff;
	[tilespmem:s0+$0xFFFFF060] =	vst v9  }
0x78: {  	v9 =	vld.idx.msk [tilespmem:v21+s28+$0x0], $0xffff;
	[tilespmem:s0+$0xFFFFF870] =	vst v0  }
0x79: {  	[tilespmem:s0+$0xFFFFF000] =	vst v10;
	v0 =	vld.idx.msk [tilespmem:v3+s28+$0x0], $0xffff  }
0x7a: {  	v3 =	vld.idx.msk [tilespmem:v27+s28+$0x0], $0xffff;
	[tilespmem:s0+$0xFFFFF810] =	vst v1  }
0x7b: {  	[tilespmem:s0+$0xFFFFF820] =	vst v5;
	v1 =	vld.idx.msk [tilespmem:v25+s28+$0x0], $0xffff;
	v5 =	vadd.s32 $0x1800, v6  }
0x7c: {  	v6 =	vld.idx.msk [tilespmem:v7+s28+$0x0], $0xffff;
	[tilespmem:s0+$0xFFFFF830] =	vst v2  }
0x7d: {  	v2 =	vld.idx.msk [tilespmem:v12+s28+$0x0], $0xffff;
	[tilespmem:s0+$0xFFFFF840] =	vst v4  }
0x7e: {  	v4 =	vld.idx.msk [tilespmem:v15+s28+$0x0], $0xffff;
	[tilespmem:s0+$0xFFFFF850] =	vst v9  }
0x7f: {  	v7 =	vld.idx.msk [tilespmem:v19+s28+$0x0], $0xffff;
	[tilespmem:s0+$0x70] =	vst v0  }
0x80: {  	[tilespmem:s0+$0xFFFFF800] =	vst v3;
	v3 =	vld.idx.msk [tilespmem:v5+s28+$0x0], $0xffff  }
0x81: {  	v5 =	vld.idx.msk [tilespmem:v28+s28+$0x0], $0xffff;
	[tilespmem:s0+$0xFFFFF860] =	vst v1  }
0x82: {  	[tilespmem:s0+$0x10] =	vst v6;
	v6 =	vld.idx.msk [tilespmem:v22+s28+$0x0], $0xffff  }
0x83: {  	[tilespmem:s0+$0x20] =	vst v2;
	v9 =	vld.idx.msk [tilespmem:v26+s28+$0x0], $0xffff  }
0x84: {  	v8 =	vld.idx.msk [tilespmem:v8+s28+$0x0], $0xffff;
	[tilespmem:s0+$0x30] =	vst v4  }
0x85: {  	v0 =	vld.idx.msk [tilespmem:v13+s28+$0x0], $0xffff;
	[tilespmem:s0+$0x40] =	vst v7  }
.Ltmp2:
0x86: {  	v1 =	vld.idx.msk [tilespmem:v16+s28+$0x0], $0xffff;
	[tilespmem:s0+$0x870] =	vst v3;
	(pc) =	sbr.rel @p0 .LBB2_2-.Ltmp2, $4  }
0x87: {  	[tilespmem:s0+$0x0] =	vst v5;
	v3 =	vld.idx.msk [tilespmem:v20+s28+$0x0], $0xffff  }
0x88: {  	v2 =	vld.idx.msk [tilespmem:v29+s28+$0x0], $0xffff;
	[tilespmem:s0+$0x50] =	vst v6  }
0x89: {  	v4 =	vld.idx.msk [tilespmem:v24+s28+$0x0], $0xffff;
	[tilespmem:s0+$0x60] =	vst v9  }
0x8a: {  	s25 =	sadd.s32 $0x80, s25;
	[tilespmem:s0+$0x810] =	vst v8;
	v5 =	vld.idx.msk [tilespmem:v30+s28+$0x0], $0xffff  }
0x8b: {  	[tilespmem:s0+$0x820] =	vst v0  }
0x8c: {  	[tilespmem:s0+$0x830] =	vst v1  }
0x8d: {  	[tilespmem:s0+$0x840] =	vst v3  }
0x8e: {  	[tilespmem:s0+$0x800] =	vst v2  }
0x8f: {  	[tilespmem:s0+$0x850] =	vst v4  }
0x90: {  	[tilespmem:s0+$0x860] =	vst v5  }
0x91: {  	s2 =	simm.s32 $0x8800;
	s0 =	rddreg [dreg:$0x8]  }
0x92: {  	[hbm4b:s0+s4] =	stream.linear.scatter [tilespmem:s2], [sflag:$0x5], $0x2000, $0x38;
	[tilespmem:$0x10800] =	vst v63  }
0x93: {  	s25 =	rddreg [dreg:$0x9]  }
0x94: {  	[tilespmem:s28], [sflag:$0x1] =	stream.linear.gather [hbm4b:s25+s4], $0x2000, $0x38;
	[tilespmem:$0x10800] =	vst v63  }
0x95: {  	_ =	swait.ge [sflag:s7], $0x2000  }
0x96: {  	[sflag:s7] =	ssyncset.done $0x0  }
0x97: {  	s26 =	simm.s32 $0x40;
	[sflag:s7] =	ssyncadd.s32 $0xFFFFE000  }
0x98: {  	v0 =	vld [tilespmem:s26+$0x30]  }
0x99: {  	v1 =	vld [tilespmem:s26+$0xFFFFFFD0]  }
0x9a: {  	v2 =	vld [tilespmem:s26+$0xFFFFFFE0]  }
0x9b: {  	v3 =	vld [tilespmem:s26+$0xFFFFFFF0]  }
0x9c: {  	v4 =	vld [tilespmem:s26+$0x0]  }
0x9d: {  	v5 =	vld [tilespmem:s26+$0x10]  }
0x9e: {  	v6 =	vld [tilespmem:s26+$0x20]  }
0x9f: {  	v7 =	vld [tilespmem:s26+$0xFFFFFFC0]  }
0xa0: {  	v8 =	vld.idx.msk [tilespmem:v0+s29+$0x0], $0xffff  }
0xa1: {  	v9 =	vld.idx.msk [tilespmem:v1+s29+$0x0], $0xffff  }
0xa2: {  	v10 =	vld.idx.msk [tilespmem:v2+s29+$0x0], $0xffff  }
0xa3: {  	v11 =	vadd.s32 $0x800, v0;
	v12 =	vld.idx.msk [tilespmem:v3+s29+$0x0], $0xffff  }
0xa4: {  	v13 =	vadd.s32 $0x800, v1;
	v14 =	vld.idx.msk [tilespmem:v4+s29+$0x0], $0xffff  }
0xa5: {  	s0 =	simm.s32 $0xB800;
	v15 =	vadd.s32 $0x800, v2;
	v16 =	vld.idx.msk [tilespmem:v5+s29+$0x0], $0xffff  }
0xa6: {  	v17 =	vadd.s32 $0x800, v3;
	v18 =	vld.idx.msk [tilespmem:v6+s29+$0x0], $0xffff;
	[tilespmem:s0+$0xFFFFF070] =	vst v8  }
0xa7: {  	v44 =	vadd.s32 $0x800, v4;
	v19 =	vld.idx.msk [tilespmem:v7+s29+$0x0], $0xffff;
	[tilespmem:s0+$0xFFFFF010] =	vst v9  }
0xa8: {  	v46 =	vadd.s32 $0x800, v5;
	[tilespmem:s0+$0xFFFFF020] =	vst v10;
	v45 =	vld.idx.msk [tilespmem:v11+s29+$0x0], $0xffff  }
0xa9: {  	v49 =	vadd.s32 $0x800, v7;
	[tilespmem:s0+$0xFFFFF030] =	vst v12;
	v47 =	vld.idx.msk [tilespmem:v13+s29+$0x0], $0xffff  }
0xaa: {  	v50 =	vadd.s32 $0x800, v6;
	[tilespmem:s0+$0xFFFFF040] =	vst v14;
	v15 =	vld.idx.msk [tilespmem:v15+s29+$0x0], $0xffff  }
0xab: {  	v48 =	vadd.s32 $0x1000, v0;
	[tilespmem:s0+$0xFFFFF050] =	vst v16;
	v17 =	vld.idx.msk [tilespmem:v17+s29+$0x0], $0xffff  }
0xac: {  	v51 =	vadd.s32 $0x1000, v1;
	[tilespmem:s0+$0xFFFFF060] =	vst v18;
	v8 =	vld.idx.msk [tilespmem:v44+s29+$0x0], $0xffff  }
0xad: {  	v52 =	vadd.s32 $0x1000, v2;
	[tilespmem:s0+$0xFFFFF000] =	vst v19;
	v11 =	vld.idx.msk [tilespmem:v46+s29+$0x0], $0xffff  }
0xae: {  	v53 =	vadd.s32 $0x1000, v3;
	v13 =	vld.idx.msk [tilespmem:v49+s29+$0x0], $0xffff;
	[tilespmem:s0+$0xFFFFF870] =	vst v45  }
0xaf: {  	v54 =	vadd.s32 $0x1000, v4;
	v55 =	vld.idx.msk [tilespmem:v50+s29+$0x0], $0xffff;
	[tilespmem:s0+$0xFFFFF810] =	vst v47  }
0xb0: {  	v56 =	vadd.s32 $0x1000, v7;
	[tilespmem:s0+$0xFFFFF820] =	vst v15;
	v12 =	vld.idx.msk [tilespmem:v48+s29+$0x0], $0xffff  }
0xb1: {  	v58 =	vadd.s32 $0x1000, v5;
	[tilespmem:s0+$0xFFFFF830] =	vst v17;
	v57 =	vld.idx.msk [tilespmem:v51+s29+$0x0], $0xffff  }
0xb2: {  	v60 =	vadd.s32 $0x1000, v6;
	[tilespmem:s0+$0xFFFFF840] =	vst v8;
	v59 =	vld.idx.msk [tilespmem:v52+s29+$0x0], $0xffff  }
0xb3: {  	v0 =	vadd.s32 $0x1800, v0;
	[tilespmem:s0+$0xFFFFF850] =	vst v11;
	v9 =	vld.idx.msk [tilespmem:v53+s29+$0x0], $0xffff  }
0xb4: {  	v1 =	vadd.s32 $0x1800, v1;
	[tilespmem:s0+$0xFFFFF800] =	vst v13;
	v61 =	vld.idx.msk [tilespmem:v54+s29+$0x0], $0xffff  }
0xb5: {  	v2 =	vadd.s32 $0x1800, v2;
	[tilespmem:s0+$0xFFFFF860] =	vst v55;
	v13 =	vld.idx.msk [tilespmem:v56+s29+$0x0], $0xffff  }
0xb6: {  	v3 =	vadd.s32 $0x1800, v3;
	v62 =	vld.idx.msk [tilespmem:v58+s29+$0x0], $0xffff;
	[tilespmem:s0+$0x70] =	vst v12  }
0xb7: {  	v4 =	vadd.s32 $0x1800, v4;
	v8 =	vld.idx.msk [tilespmem:v60+s29+$0x0], $0xffff;
	[tilespmem:s0+$0x10] =	vst v57  }
0xb8: {  	v7 =	vadd.s32 $0x1800, v7;
	[tilespmem:s0+$0x20] =	vst v59;
	v12 =	vld.idx.msk [tilespmem:v0+s29+$0x0], $0xffff  }
0xb9: {  	v5 =	vadd.s32 $0x1800, v5;
	[tilespmem:s0+$0x30] =	vst v9;
	v63 =	vld.idx.msk [tilespmem:v1+s29+$0x0], $0xffff  }
0xba: {  	v6 =	vadd.s32 $0x1800, v6;
	[tilespmem:s0+$0x40] =	vst v61;
	v0 =	vld.idx.msk [tilespmem:v2+s29+$0x0], $0xffff  }
0xbb: {  	[tilespmem:s0+$0x0] =	vst v13;
	v1 =	vld.idx.msk [tilespmem:v3+s29+$0x0], $0xffff  }
0xbc: {  	[tilespmem:s0+$0x50] =	vst v62;
	v3 =	vld.idx.msk [tilespmem:v4+s29+$0x0], $0xffff  }
0xbd: {  	[tilespmem:s0+$0x60] =	vst v8;
	v2 =	vld.idx.msk [tilespmem:v7+s29+$0x0], $0xffff  }
0xbe: {  	v4 =	vld.idx.msk [tilespmem:v5+s29+$0x0], $0xffff;
	[tilespmem:s0+$0x870] =	vst v12  }
0xbf: {  	s6 =	simm.s32 $0x0;
	s25 =	simm.s32 $0xC0;
	v5 =	vld.idx.msk [tilespmem:v6+s29+$0x0], $0xffff;
	[tilespmem:s0+$0x810] =	vst v63  }
.LBB2_4:
0xc0: {  	v6 =	vld [tilespmem:s25+$0x30];
	s6 =	sadd.s32 $0x80, s6;
	[tilespmem:s0+$0x820] =	vst v0  }
0xc1: {  	v0 =	vld [tilespmem:s25+$0xFFFFFFD0];
	p0 =	slt.u32 s6, $0x780;
	[tilespmem:s0+$0x830] =	vst v1  }
0xc2: {  	v1 =	vld [tilespmem:s25+$0xFFFFFFE0];
	[tilespmem:s0+$0x840] =	vst v3  }
0xc3: {  	v3 =	vld [tilespmem:s25+$0xFFFFFFF0];
	[tilespmem:s0+$0x800] =	vst v2  }
0xc4: {  	v2 =	vld [tilespmem:s25+$0x0];
	[tilespmem:s0+$0x850] =	vst v4  }
0xc5: {  	v4 =	vld [tilespmem:s25+$0x10];
	[tilespmem:s0+$0x860] =	vst v5  }
0xc6: {  	v5 =	vadd.s32 $0x800, v0;
	v7 =	vadd.s32 $0x1000, v0;
	v8 =	vadd.s32 $0x1800, v0;
	v9 =	vld [tilespmem:s25+$0x20]  }
0xc7: {  	v10 =	vld [tilespmem:s25+$0xFFFFFFC0];
	v11 =	vadd.s32 $0x800, v1;
	v12 =	vadd.s32 $0x1000, v1;
	v13 =	vadd.s32 $0x1800, v1  }
0xc8: {  	v14 =	vadd.s32 $0x800, v3;
	v15 =	vadd.s32 $0x1000, v3;
	v16 =	vadd.s32 $0x1800, v3;
	v17 =	vld.idx.msk [tilespmem:v6+s29+$0x0], $0xffff  }
0xc9: {  	v0 =	vld.idx.msk [tilespmem:v0+s29+$0x0], $0xffff;
	v18 =	vadd.s32 $0x800, v2;
	v19 =	vadd.s32 $0x1000, v2;
	v20 =	vadd.s32 $0x1800, v2  }
0xca: {  	v23 =	vadd.s32 $0x800, v6;
	v1 =	vld.idx.msk [tilespmem:v1+s29+$0x0], $0xffff;
	v21 =	vadd.s32 $0x800, v4;
	v22 =	vadd.s32 $0x1000, v4  }
0xcb: {  	v24 =	vadd.s32 $0x1800, v4;
	v3 =	vld.idx.msk [tilespmem:v3+s29+$0x0], $0xffff;
	v25 =	vadd.s32 $0x800, v9;
	v26 =	vadd.s32 $0x1000, v9  }
0xcc: {  	v27 =	vadd.s32 $0x800, v10;
	v28 =	vadd.s32 $0x1000, v10;
	v29 =	vadd.s32 $0x1800, v10;
	v2 =	vld.idx.msk [tilespmem:v2+s29+$0x0], $0xffff  }
0xcd: {  	s0 =	sadd.s32 $0x80, s0;
	v30 =	vadd.s32 $0x1800, v9;
	v4 =	vld.idx.msk [tilespmem:v4+s29+$0x0], $0xffff  }
0xce: {  	v9 =	vld.idx.msk [tilespmem:v9+s29+$0x0], $0xffff;
	[tilespmem:s0+$0xFFFFF070] =	vst v17  }
0xcf: {  	[tilespmem:s0+$0xFFFFF010] =	vst v0;
	v0 =	vld.idx.msk [tilespmem:v23+s29+$0x0], $0xffff  }
0xd0: {  	v10 =	vld.idx.msk [tilespmem:v10+s29+$0x0], $0xffff;
	[tilespmem:s0+$0xFFFFF020] =	vst v1  }
0xd1: {  	v1 =	vld.idx.msk [tilespmem:v5+s29+$0x0], $0xffff;
	[tilespmem:s0+$0xFFFFF030] =	vst v3;
	v3 =	vadd.s32 $0x1000, v6  }
0xd2: {  	v5 =	vld.idx.msk [tilespmem:v11+s29+$0x0], $0xffff;
	[tilespmem:s0+$0xFFFFF040] =	vst v2  }
0xd3: {  	v2 =	vld.idx.msk [tilespmem:v14+s29+$0x0], $0xffff;
	[tilespmem:s0+$0xFFFFF050] =	vst v4  }
0xd4: {  	v4 =	vld.idx.msk [tilespmem:v18+s29+$0x0], $0xffff;
	[tilespmem:s0+$0xFFFFF060] =	vst v9  }
0xd5: {  	v9 =	vld.idx.msk [tilespmem:v21+s29+$0x0], $0xffff;
	[tilespmem:s0+$0xFFFFF870] =	vst v0  }
0xd6: {  	[tilespmem:s0+$0xFFFFF000] =	vst v10;
	v0 =	vld.idx.msk [tilespmem:v3+s29+$0x0], $0xffff  }
0xd7: {  	v3 =	vld.idx.msk [tilespmem:v27+s29+$0x0], $0xffff;
	[tilespmem:s0+$0xFFFFF810] =	vst v1  }
0xd8: {  	[tilespmem:s0+$0xFFFFF820] =	vst v5;
	v1 =	vld.idx.msk [tilespmem:v25+s29+$0x0], $0xffff;
	v5 =	vadd.s32 $0x1800, v6  }
0xd9: {  	v6 =	vld.idx.msk [tilespmem:v7+s29+$0x0], $0xffff;
	[tilespmem:s0+$0xFFFFF830] =	vst v2  }
0xda: {  	v2 =	vld.idx.msk [tilespmem:v12+s29+$0x0], $0xffff;
	[tilespmem:s0+$0xFFFFF840] =	vst v4  }
0xdb: {  	v4 =	vld.idx.msk [tilespmem:v15+s29+$0x0], $0xffff;
	[tilespmem:s0+$0xFFFFF850] =	vst v9  }
0xdc: {  	v7 =	vld.idx.msk [tilespmem:v19+s29+$0x0], $0xffff;
	[tilespmem:s0+$0x70] =	vst v0  }
0xdd: {  	[tilespmem:s0+$0xFFFFF800] =	vst v3;
	v3 =	vld.idx.msk [tilespmem:v5+s29+$0x0], $0xffff  }
0xde: {  	v5 =	vld.idx.msk [tilespmem:v28+s29+$0x0], $0xffff;
	[tilespmem:s0+$0xFFFFF860] =	vst v1  }
0xdf: {  	[tilespmem:s0+$0x10] =	vst v6;
	v6 =	vld.idx.msk [tilespmem:v22+s29+$0x0], $0xffff  }
0xe0: {  	[tilespmem:s0+$0x20] =	vst v2;
	v9 =	vld.idx.msk [tilespmem:v26+s29+$0x0], $0xffff  }
0xe1: {  	v8 =	vld.idx.msk [tilespmem:v8+s29+$0x0], $0xffff;
	[tilespmem:s0+$0x30] =	vst v4  }
0xe2: {  	v0 =	vld.idx.msk [tilespmem:v13+s29+$0x0], $0xffff;
	[tilespmem:s0+$0x40] =	vst v7  }
.Ltmp3:
0xe3: {  	v1 =	vld.idx.msk [tilespmem:v16+s29+$0x0], $0xffff;
	[tilespmem:s0+$0x870] =	vst v3;
	(pc) =	sbr.rel @p0 .LBB2_4-.Ltmp3, $4  }
0xe4: {  	[tilespmem:s0+$0x0] =	vst v5;
	v3 =	vld.idx.msk [tilespmem:v20+s29+$0x0], $0xffff  }
0xe5: {  	v2 =	vld.idx.msk [tilespmem:v29+s29+$0x0], $0xffff;
	[tilespmem:s0+$0x50] =	vst v6  }
0xe6: {  	v4 =	vld.idx.msk [tilespmem:v24+s29+$0x0], $0xffff;
	[tilespmem:s0+$0x60] =	vst v9  }
0xe7: {  	s25 =	sadd.s32 $0x80, s25;
	[tilespmem:s0+$0x810] =	vst v8;
	v5 =	vld.idx.msk [tilespmem:v30+s29+$0x0], $0xffff  }
0xe8: {  	[tilespmem:s0+$0x820] =	vst v0  }
0xe9: {  	[tilespmem:s0+$0x830] =	vst v1  }
0xea: {  	[tilespmem:s0+$0x840] =	vst v3  }
0xeb: {  	[tilespmem:s0+$0x800] =	vst v2  }
0xec: {  	[tilespmem:s0+$0x850] =	vst v4  }
0xed: {  	[tilespmem:s0+$0x860] =	vst v5  }
0xee: {  	s0 =	rddreg [dreg:$0xa]  }
0xef: {  	[hbm4b:s0+s4] =	stream.linear.scatter [tilespmem:s8], [sflag:$0x6], $0x2000, $0x38;
	[tilespmem:$0x10800] =	vst v63  }
0xf0: {  	s25 =	rddreg [dreg:$0xb]  }
0xf1: {  	[tilespmem:s29], [sflag:$0x2] =	stream.linear.gather [hbm4b:s25+s4], $0x2000, $0x38;
	[tilespmem:$0x10800] =	vst v63  }
0xf2: {  	_ =	swait.ge [sflag:s9], $0x2000  }
0xf3: {  	[sflag:s9] =	ssyncset.done $0x0  }
0xf4: {  	s26 =	simm.s32 $0x40;
	[sflag:s9] =	ssyncadd.s32 $0xFFFFE000  }
0xf5: {  	v0 =	vld [tilespmem:s26+$0x30]  }
0xf6: {  	v1 =	vld [tilespmem:s26+$0xFFFFFFD0]  }
0xf7: {  	v2 =	vld [tilespmem:s26+$0xFFFFFFE0]  }
0xf8: {  	v3 =	vld [tilespmem:s26+$0xFFFFFFF0]  }
0xf9: {  	v4 =	vld [tilespmem:s26+$0x0]  }
0xfa: {  	v5 =	vld [tilespmem:s26+$0x10]  }
0xfb: {  	v6 =	vld [tilespmem:s26+$0x20]  }
0xfc: {  	v7 =	vld [tilespmem:s26+$0xFFFFFFC0]  }
0xfd: {  	v8 =	vld.idx.msk [tilespmem:v0+s30+$0x0], $0xffff  }
0xfe: {  	v9 =	vld.idx.msk [tilespmem:v1+s30+$0x0], $0xffff  }
0xff: {  	v10 =	vld.idx.msk [tilespmem:v2+s30+$0x0], $0xffff  }
0x100: {  	v11 =	vadd.s32 $0x800, v0;
	v12 =	vld.idx.msk [tilespmem:v3+s30+$0x0], $0xffff  }
0x101: {  	v13 =	vadd.s32 $0x800, v1;
	v14 =	vld.idx.msk [tilespmem:v4+s30+$0x0], $0xffff  }
0x102: {  	s0 =	simm.s32 $0xD800;
	v15 =	vadd.s32 $0x800, v2;
	v16 =	vld.idx.msk [tilespmem:v5+s30+$0x0], $0xffff  }
0x103: {  	v17 =	vadd.s32 $0x800, v3;
	v18 =	vld.idx.msk [tilespmem:v6+s30+$0x0], $0xffff;
	[tilespmem:s0+$0xFFFFF070] =	vst v8  }
0x104: {  	v44 =	vadd.s32 $0x800, v4;
	v19 =	vld.idx.msk [tilespmem:v7+s30+$0x0], $0xffff;
	[tilespmem:s0+$0xFFFFF010] =	vst v9  }
0x105: {  	v46 =	vadd.s32 $0x800, v5;
	[tilespmem:s0+$0xFFFFF020] =	vst v10;
	v45 =	vld.idx.msk [tilespmem:v11+s30+$0x0], $0xffff  }
0x106: {  	v49 =	vadd.s32 $0x800, v7;
	[tilespmem:s0+$0xFFFFF030] =	vst v12;
	v47 =	vld.idx.msk [tilespmem:v13+s30+$0x0], $0xffff  }
0x107: {  	v50 =	vadd.s32 $0x800, v6;
	[tilespmem:s0+$0xFFFFF040] =	vst v14;
	v15 =	vld.idx.msk [tilespmem:v15+s30+$0x0], $0xffff  }
0x108: {  	v48 =	vadd.s32 $0x1000, v0;
	[tilespmem:s0+$0xFFFFF050] =	vst v16;
	v17 =	vld.idx.msk [tilespmem:v17+s30+$0x0], $0xffff  }
0x109: {  	v51 =	vadd.s32 $0x1000, v1;
	[tilespmem:s0+$0xFFFFF060] =	vst v18;
	v8 =	vld.idx.msk [tilespmem:v44+s30+$0x0], $0xffff  }
0x10a: {  	v52 =	vadd.s32 $0x1000, v2;
	[tilespmem:s0+$0xFFFFF000] =	vst v19;
	v11 =	vld.idx.msk [tilespmem:v46+s30+$0x0], $0xffff  }
0x10b: {  	v53 =	vadd.s32 $0x1000, v3;
	v13 =	vld.idx.msk [tilespmem:v49+s30+$0x0], $0xffff;
	[tilespmem:s0+$0xFFFFF870] =	vst v45  }
0x10c: {  	v54 =	vadd.s32 $0x1000, v4;
	v55 =	vld.idx.msk [tilespmem:v50+s30+$0x0], $0xffff;
	[tilespmem:s0+$0xFFFFF810] =	vst v47  }
0x10d: {  	v56 =	vadd.s32 $0x1000, v7;
	[tilespmem:s0+$0xFFFFF820] =	vst v15;
	v12 =	vld.idx.msk [tilespmem:v48+s30+$0x0], $0xffff  }
0x10e: {  	v58 =	vadd.s32 $0x1000, v5;
	[tilespmem:s0+$0xFFFFF830] =	vst v17;
	v57 =	vld.idx.msk [tilespmem:v51+s30+$0x0], $0xffff  }
0x10f: {  	v60 =	vadd.s32 $0x1000, v6;
	[tilespmem:s0+$0xFFFFF840] =	vst v8;
	v59 =	vld.idx.msk [tilespmem:v52+s30+$0x0], $0xffff  }
0x110: {  	v0 =	vadd.s32 $0x1800, v0;
	[tilespmem:s0+$0xFFFFF850] =	vst v11;
	v9 =	vld.idx.msk [tilespmem:v53+s30+$0x0], $0xffff  }
0x111: {  	v1 =	vadd.s32 $0x1800, v1;
	[tilespmem:s0+$0xFFFFF800] =	vst v13;
	v61 =	vld.idx.msk [tilespmem:v54+s30+$0x0], $0xffff  }
0x112: {  	v2 =	vadd.s32 $0x1800, v2;
	[tilespmem:s0+$0xFFFFF860] =	vst v55;
	v13 =	vld.idx.msk [tilespmem:v56+s30+$0x0], $0xffff  }
0x113: {  	v3 =	vadd.s32 $0x1800, v3;
	v62 =	vld.idx.msk [tilespmem:v58+s30+$0x0], $0xffff;
	[tilespmem:s0+$0x70] =	vst v12  }
0x114: {  	v4 =	vadd.s32 $0x1800, v4;
	v8 =	vld.idx.msk [tilespmem:v60+s30+$0x0], $0xffff;
	[tilespmem:s0+$0x10] =	vst v57  }
0x115: {  	v7 =	vadd.s32 $0x1800, v7;
	[tilespmem:s0+$0x20] =	vst v59;
	v12 =	vld.idx.msk [tilespmem:v0+s30+$0x0], $0xffff  }
0x116: {  	v5 =	vadd.s32 $0x1800, v5;
	[tilespmem:s0+$0x30] =	vst v9;
	v63 =	vld.idx.msk [tilespmem:v1+s30+$0x0], $0xffff  }
0x117: {  	v6 =	vadd.s32 $0x1800, v6;
	[tilespmem:s0+$0x40] =	vst v61;
	v0 =	vld.idx.msk [tilespmem:v2+s30+$0x0], $0xffff  }
0x118: {  	[tilespmem:s0+$0x0] =	vst v13;
	v1 =	vld.idx.msk [tilespmem:v3+s30+$0x0], $0xffff  }
0x119: {  	[tilespmem:s0+$0x50] =	vst v62;
	v3 =	vld.idx.msk [tilespmem:v4+s30+$0x0], $0xffff  }
0x11a: {  	[tilespmem:s0+$0x60] =	vst v8;
	v2 =	vld.idx.msk [tilespmem:v7+s30+$0x0], $0xffff  }
0x11b: {  	v4 =	vld.idx.msk [tilespmem:v5+s30+$0x0], $0xffff;
	[tilespmem:s0+$0x870] =	vst v12  }
0x11c: {  	s6 =	simm.s32 $0x0;
	s25 =	simm.s32 $0xC0;
	v5 =	vld.idx.msk [tilespmem:v6+s30+$0x0], $0xffff;
	[tilespmem:s0+$0x810] =	vst v63  }
.LBB2_6:
0x11d: {  	v6 =	vld [tilespmem:s25+$0x30];
	s6 =	sadd.s32 $0x80, s6;
	[tilespmem:s0+$0x820] =	vst v0  }
0x11e: {  	v0 =	vld [tilespmem:s25+$0xFFFFFFD0];
	p0 =	slt.u32 s6, $0x780;
	[tilespmem:s0+$0x830] =	vst v1  }
0x11f: {  	v1 =	vld [tilespmem:s25+$0xFFFFFFE0];
	[tilespmem:s0+$0x840] =	vst v3  }
0x120: {  	v3 =	vld [tilespmem:s25+$0xFFFFFFF0];
	[tilespmem:s0+$0x800] =	vst v2  }
0x121: {  	v2 =	vld [tilespmem:s25+$0x0];
	[tilespmem:s0+$0x850] =	vst v4  }
0x122: {  	v4 =	vld [tilespmem:s25+$0x10];
	[tilespmem:s0+$0x860] =	vst v5  }
0x123: {  	v5 =	vadd.s32 $0x800, v0;
	v7 =	vadd.s32 $0x1000, v0;
	v8 =	vadd.s32 $0x1800, v0;
	v9 =	vld [tilespmem:s25+$0x20]  }
0x124: {  	v10 =	vld [tilespmem:s25+$0xFFFFFFC0];
	v11 =	vadd.s32 $0x800, v1;
	v12 =	vadd.s32 $0x1000, v1;
	v13 =	vadd.s32 $0x1800, v1  }
0x125: {  	v14 =	vadd.s32 $0x800, v3;
	v15 =	vadd.s32 $0x1000, v3;
	v16 =	vadd.s32 $0x1800, v3;
	v17 =	vld.idx.msk [tilespmem:v6+s30+$0x0], $0xffff  }
0x126: {  	v0 =	vld.idx.msk [tilespmem:v0+s30+$0x0], $0xffff;
	v18 =	vadd.s32 $0x800, v2;
	v19 =	vadd.s32 $0x1000, v2;
	v20 =	vadd.s32 $0x1800, v2  }
0x127: {  	v23 =	vadd.s32 $0x800, v6;
	v1 =	vld.idx.msk [tilespmem:v1+s30+$0x0], $0xffff;
	v21 =	vadd.s32 $0x800, v4;
	v22 =	vadd.s32 $0x1000, v4  }
0x128: {  	v24 =	vadd.s32 $0x1800, v4;
	v3 =	vld.idx.msk [tilespmem:v3+s30+$0x0], $0xffff;
	v25 =	vadd.s32 $0x800, v9;
	v26 =	vadd.s32 $0x1000, v9  }
0x129: {  	v27 =	vadd.s32 $0x800, v10;
	v28 =	vadd.s32 $0x1000, v10;
	v29 =	vadd.s32 $0x1800, v10;
	v2 =	vld.idx.msk [tilespmem:v2+s30+$0x0], $0xffff  }
0x12a: {  	s0 =	sadd.s32 $0x80, s0;
	v30 =	vadd.s32 $0x1800, v9;
	v4 =	vld.idx.msk [tilespmem:v4+s30+$0x0], $0xffff  }
0x12b: {  	v9 =	vld.idx.msk [tilespmem:v9+s30+$0x0], $0xffff;
	[tilespmem:s0+$0xFFFFF070] =	vst v17  }
0x12c: {  	[tilespmem:s0+$0xFFFFF010] =	vst v0;
	v0 =	vld.idx.msk [tilespmem:v23+s30+$0x0], $0xffff  }
0x12d: {  	v10 =	vld.idx.msk [tilespmem:v10+s30+$0x0], $0xffff;
	[tilespmem:s0+$0xFFFFF020] =	vst v1  }
0x12e: {  	v1 =	vld.idx.msk [tilespmem:v5+s30+$0x0], $0xffff;
	[tilespmem:s0+$0xFFFFF030] =	vst v3;
	v3 =	vadd.s32 $0x1000, v6  }
0x12f: {  	v5 =	vld.idx.msk [tilespmem:v11+s30+$0x0], $0xffff;
	[tilespmem:s0+$0xFFFFF040] =	vst v2  }
0x130: {  	v2 =	vld.idx.msk [tilespmem:v14+s30+$0x0], $0xffff;
	[tilespmem:s0+$0xFFFFF050] =	vst v4  }
0x131: {  	v4 =	vld.idx.msk [tilespmem:v18+s30+$0x0], $0xffff;
	[tilespmem:s0+$0xFFFFF060] =	vst v9  }
0x132: {  	v9 =	vld.idx.msk [tilespmem:v21+s30+$0x0], $0xffff;
	[tilespmem:s0+$0xFFFFF870] =	vst v0  }
0x133: {  	[tilespmem:s0+$0xFFFFF000] =	vst v10;
	v0 =	vld.idx.msk [tilespmem:v3+s30+$0x0], $0xffff  }
0x134: {  	v3 =	vld.idx.msk [tilespmem:v27+s30+$0x0], $0xffff;
	[tilespmem:s0+$0xFFFFF810] =	vst v1  }
0x135: {  	[tilespmem:s0+$0xFFFFF820] =	vst v5;
	v1 =	vld.idx.msk [tilespmem:v25+s30+$0x0], $0xffff;
	v5 =	vadd.s32 $0x1800, v6  }
0x136: {  	v6 =	vld.idx.msk [tilespmem:v7+s30+$0x0], $0xffff;
	[tilespmem:s0+$0xFFFFF830] =	vst v2  }
0x137: {  	v2 =	vld.idx.msk [tilespmem:v12+s30+$0x0], $0xffff;
	[tilespmem:s0+$0xFFFFF840] =	vst v4  }
0x138: {  	v4 =	vld.idx.msk [tilespmem:v15+s30+$0x0], $0xffff;
	[tilespmem:s0+$0xFFFFF850] =	vst v9  }
0x139: {  	v7 =	vld.idx.msk [tilespmem:v19+s30+$0x0], $0xffff;
	[tilespmem:s0+$0x70] =	vst v0  }
0x13a: {  	[tilespmem:s0+$0xFFFFF800] =	vst v3;
	v3 =	vld.idx.msk [tilespmem:v5+s30+$0x0], $0xffff  }
0x13b: {  	v5 =	vld.idx.msk [tilespmem:v28+s30+$0x0], $0xffff;
	[tilespmem:s0+$0xFFFFF860] =	vst v1  }
0x13c: {  	[tilespmem:s0+$0x10] =	vst v6;
	v6 =	vld.idx.msk [tilespmem:v22+s30+$0x0], $0xffff  }
0x13d: {  	[tilespmem:s0+$0x20] =	vst v2;
	v9 =	vld.idx.msk [tilespmem:v26+s30+$0x0], $0xffff  }
0x13e: {  	v8 =	vld.idx.msk [tilespmem:v8+s30+$0x0], $0xffff;
	[tilespmem:s0+$0x30] =	vst v4  }
0x13f: {  	v0 =	vld.idx.msk [tilespmem:v13+s30+$0x0], $0xffff;
	[tilespmem:s0+$0x40] =	vst v7  }
.Ltmp4:
0x140: {  	v1 =	vld.idx.msk [tilespmem:v16+s30+$0x0], $0xffff;
	[tilespmem:s0+$0x870] =	vst v3;
	(pc) =	sbr.rel @p0 .LBB2_6-.Ltmp4, $4  }
0x141: {  	[tilespmem:s0+$0x0] =	vst v5;
	v3 =	vld.idx.msk [tilespmem:v20+s30+$0x0], $0xffff  }
0x142: {  	v2 =	vld.idx.msk [tilespmem:v29+s30+$0x0], $0xffff;
	[tilespmem:s0+$0x50] =	vst v6  }
0x143: {  	v4 =	vld.idx.msk [tilespmem:v24+s30+$0x0], $0xffff;
	[tilespmem:s0+$0x60] =	vst v9  }
0x144: {  	s25 =	sadd.s32 $0x80, s25;
	[tilespmem:s0+$0x810] =	vst v8;
	v5 =	vld.idx.msk [tilespmem:v30+s30+$0x0], $0xffff  }
0x145: {  	[tilespmem:s0+$0x820] =	vst v0  }
0x146: {  	[tilespmem:s0+$0x830] =	vst v1  }
0x147: {  	[tilespmem:s0+$0x840] =	vst v3  }
0x148: {  	[tilespmem:s0+$0x800] =	vst v2  }
0x149: {  	[tilespmem:s0+$0x850] =	vst v4  }
0x14a: {  	[tilespmem:s0+$0x860] =	vst v5  }
0x14b: {  	s0 =	rddreg [dreg:$0xc]  }
0x14c: {  	[hbm4b:s0+s4] =	stream.linear.scatter [tilespmem:s10], [sflag:$0x7], $0x2000, $0x38;
	[tilespmem:$0x10800] =	vst v63  }
0x14d: {  	s25 =	rddreg [dreg:$0xd]  }
0x14e: {  	[tilespmem:s30], [sflag:$0x3] =	stream.linear.gather [hbm4b:s25+s4], $0x2000, $0x38;
	[tilespmem:$0x10800] =	vst v63  }
0x14f: {  	_ =	swait.ge [sflag:s11], $0x2000  }
0x150: {  	[sflag:s11] =	ssyncset.done $0x0  }
0x151: {  	s26 =	simm.s32 $0x40;
	[sflag:s11] =	ssyncadd.s32 $0xFFFFE000  }
0x152: {  	v0 =	vld [tilespmem:s26+$0x30]  }
0x153: {  	v1 =	vld [tilespmem:s26+$0xFFFFFFD0]  }
0x154: {  	v2 =	vld [tilespmem:s26+$0xFFFFFFE0]  }
0x155: {  	v3 =	vld [tilespmem:s26+$0xFFFFFFF0]  }
0x156: {  	v4 =	vld [tilespmem:s26+$0x0]  }
0x157: {  	v5 =	vld [tilespmem:s26+$0x10]  }
0x158: {  	v6 =	vld [tilespmem:s26+$0x20]  }
0x159: {  	v7 =	vld [tilespmem:s26+$0xFFFFFFC0]  }
0x15a: {  	v8 =	vld.idx.msk [tilespmem:v0+s31+$0x0], $0xffff  }
0x15b: {  	v9 =	vld.idx.msk [tilespmem:v1+s31+$0x0], $0xffff  }
0x15c: {  	v10 =	vld.idx.msk [tilespmem:v2+s31+$0x0], $0xffff  }
0x15d: {  	v11 =	vadd.s32 $0x800, v0;
	v12 =	vld.idx.msk [tilespmem:v3+s31+$0x0], $0xffff  }
0x15e: {  	v13 =	vadd.s32 $0x800, v1;
	v14 =	vld.idx.msk [tilespmem:v4+s31+$0x0], $0xffff  }
0x15f: {  	s0 =	simm.s32 $0xF800;
	v15 =	vadd.s32 $0x800, v2;
	v16 =	vld.idx.msk [tilespmem:v5+s31+$0x0], $0xffff  }
0x160: {  	v17 =	vadd.s32 $0x800, v3;
	v18 =	vld.idx.msk [tilespmem:v6+s31+$0x0], $0xffff;
	[tilespmem:s0+$0xFFFFF070] =	vst v8  }
0x161: {  	v44 =	vadd.s32 $0x800, v4;
	v19 =	vld.idx.msk [tilespmem:v7+s31+$0x0], $0xffff;
	[tilespmem:s0+$0xFFFFF010] =	vst v9  }
0x162: {  	v46 =	vadd.s32 $0x800, v5;
	[tilespmem:s0+$0xFFFFF020] =	vst v10;
	v45 =	vld.idx.msk [tilespmem:v11+s31+$0x0], $0xffff  }
0x163: {  	v49 =	vadd.s32 $0x800, v7;
	[tilespmem:s0+$0xFFFFF030] =	vst v12;
	v47 =	vld.idx.msk [tilespmem:v13+s31+$0x0], $0xffff  }
0x164: {  	v50 =	vadd.s32 $0x800, v6;
	[tilespmem:s0+$0xFFFFF040] =	vst v14;
	v15 =	vld.idx.msk [tilespmem:v15+s31+$0x0], $0xffff  }
0x165: {  	v48 =	vadd.s32 $0x1000, v0;
	[tilespmem:s0+$0xFFFFF050] =	vst v16;
	v17 =	vld.idx.msk [tilespmem:v17+s31+$0x0], $0xffff  }
0x166: {  	v51 =	vadd.s32 $0x1000, v1;
	[tilespmem:s0+$0xFFFFF060] =	vst v18;
	v8 =	vld.idx.msk [tilespmem:v44+s31+$0x0], $0xffff  }
0x167: {  	v52 =	vadd.s32 $0x1000, v2;
	[tilespmem:s0+$0xFFFFF000] =	vst v19;
	v11 =	vld.idx.msk [tilespmem:v46+s31+$0x0], $0xffff  }
0x168: {  	v53 =	vadd.s32 $0x1000, v3;
	v13 =	vld.idx.msk [tilespmem:v49+s31+$0x0], $0xffff;
	[tilespmem:s0+$0xFFFFF870] =	vst v45  }
0x169: {  	v54 =	vadd.s32 $0x1000, v4;
	v55 =	vld.idx.msk [tilespmem:v50+s31+$0x0], $0xffff;
	[tilespmem:s0+$0xFFFFF810] =	vst v47  }
0x16a: {  	v56 =	vadd.s32 $0x1000, v7;
	[tilespmem:s0+$0xFFFFF820] =	vst v15;
	v12 =	vld.idx.msk [tilespmem:v48+s31+$0x0], $0xffff  }
0x16b: {  	v58 =	vadd.s32 $0x1000, v5;
	[tilespmem:s0+$0xFFFFF830] =	vst v17;
	v57 =	vld.idx.msk [tilespmem:v51+s31+$0x0], $0xffff  }
0x16c: {  	v60 =	vadd.s32 $0x1000, v6;
	[tilespmem:s0+$0xFFFFF840] =	vst v8;
	v59 =	vld.idx.msk [tilespmem:v52+s31+$0x0], $0xffff  }
0x16d: {  	v0 =	vadd.s32 $0x1800, v0;
	[tilespmem:s0+$0xFFFFF850] =	vst v11;
	v9 =	vld.idx.msk [tilespmem:v53+s31+$0x0], $0xffff  }
0x16e: {  	v1 =	vadd.s32 $0x1800, v1;
	[tilespmem:s0+$0xFFFFF800] =	vst v13;
	v61 =	vld.idx.msk [tilespmem:v54+s31+$0x0], $0xffff  }
0x16f: {  	v2 =	vadd.s32 $0x1800, v2;
	[tilespmem:s0+$0xFFFFF860] =	vst v55;
	v13 =	vld.idx.msk [tilespmem:v56+s31+$0x0], $0xffff  }
0x170: {  	v3 =	vadd.s32 $0x1800, v3;
	v62 =	vld.idx.msk [tilespmem:v58+s31+$0x0], $0xffff;
	[tilespmem:s0+$0x70] =	vst v12  }
0x171: {  	v4 =	vadd.s32 $0x1800, v4;
	v8 =	vld.idx.msk [tilespmem:v60+s31+$0x0], $0xffff;
	[tilespmem:s0+$0x10] =	vst v57  }
0x172: {  	v7 =	vadd.s32 $0x1800, v7;
	[tilespmem:s0+$0x20] =	vst v59;
	v12 =	vld.idx.msk [tilespmem:v0+s31+$0x0], $0xffff  }
0x173: {  	v5 =	vadd.s32 $0x1800, v5;
	[tilespmem:s0+$0x30] =	vst v9;
	v63 =	vld.idx.msk [tilespmem:v1+s31+$0x0], $0xffff  }
0x174: {  	v6 =	vadd.s32 $0x1800, v6;
	[tilespmem:s0+$0x40] =	vst v61;
	v0 =	vld.idx.msk [tilespmem:v2+s31+$0x0], $0xffff  }
0x175: {  	[tilespmem:s0+$0x0] =	vst v13;
	v1 =	vld.idx.msk [tilespmem:v3+s31+$0x0], $0xffff  }
0x176: {  	[tilespmem:s0+$0x50] =	vst v62;
	v3 =	vld.idx.msk [tilespmem:v4+s31+$0x0], $0xffff  }
0x177: {  	[tilespmem:s0+$0x60] =	vst v8;
	v2 =	vld.idx.msk [tilespmem:v7+s31+$0x0], $0xffff  }
0x178: {  	v4 =	vld.idx.msk [tilespmem:v5+s31+$0x0], $0xffff;
	[tilespmem:s0+$0x870] =	vst v12  }
0x179: {  	s6 =	simm.s32 $0x0;
	s25 =	simm.s32 $0xC0;
	v5 =	vld.idx.msk [tilespmem:v6+s31+$0x0], $0xffff;
	[tilespmem:s0+$0x810] =	vst v63  }
.LBB2_8:
0x17a: {  	v6 =	vld [tilespmem:s25+$0x30];
	s6 =	sadd.s32 $0x80, s6;
	[tilespmem:s0+$0x820] =	vst v0  }
0x17b: {  	v0 =	vld [tilespmem:s25+$0xFFFFFFD0];
	p0 =	slt.u32 s6, $0x780;
	[tilespmem:s0+$0x830] =	vst v1  }
0x17c: {  	v1 =	vld [tilespmem:s25+$0xFFFFFFE0];
	[tilespmem:s0+$0x840] =	vst v3  }
0x17d: {  	v3 =	vld [tilespmem:s25+$0xFFFFFFF0];
	[tilespmem:s0+$0x800] =	vst v2  }
0x17e: {  	v2 =	vld [tilespmem:s25+$0x0];
	[tilespmem:s0+$0x850] =	vst v4  }
0x17f: {  	v4 =	vld [tilespmem:s25+$0x10];
	[tilespmem:s0+$0x860] =	vst v5  }
0x180: {  	v5 =	vadd.s32 $0x800, v0;
	v7 =	vadd.s32 $0x1000, v0;
	v8 =	vadd.s32 $0x1800, v0;
	v9 =	vld [tilespmem:s25+$0x20]  }
0x181: {  	v10 =	vld [tilespmem:s25+$0xFFFFFFC0];
	v11 =	vadd.s32 $0x800, v1;
	v12 =	vadd.s32 $0x1000, v1;
	v13 =	vadd.s32 $0x1800, v1  }
0x182: {  	v14 =	vadd.s32 $0x800, v3;
	v15 =	vadd.s32 $0x1000, v3;
	v16 =	vadd.s32 $0x1800, v3;
	v17 =	vld.idx.msk [tilespmem:v6+s31+$0x0], $0xffff  }
0x183: {  	v0 =	vld.idx.msk [tilespmem:v0+s31+$0x0], $0xffff;
	v18 =	vadd.s32 $0x800, v2;
	v19 =	vadd.s32 $0x1000, v2;
	v20 =	vadd.s32 $0x1800, v2  }
0x184: {  	v23 =	vadd.s32 $0x800, v6;
	v1 =	vld.idx.msk [tilespmem:v1+s31+$0x0], $0xffff;
	v21 =	vadd.s32 $0x800, v4;
	v22 =	vadd.s32 $0x1000, v4  }
0x185: {  	v24 =	vadd.s32 $0x1800, v4;
	v3 =	vld.idx.msk [tilespmem:v3+s31+$0x0], $0xffff;
	v25 =	vadd.s32 $0x800, v9;
	v26 =	vadd.s32 $0x1000, v9  }
0x186: {  	v27 =	vadd.s32 $0x800, v10;
	v28 =	vadd.s32 $0x1000, v10;
	v29 =	vadd.s32 $0x1800, v10;
	v2 =	vld.idx.msk [tilespmem:v2+s31+$0x0], $0xffff  }
0x187: {  	s0 =	sadd.s32 $0x80, s0;
	v30 =	vadd.s32 $0x1800, v9;
	v4 =	vld.idx.msk [tilespmem:v4+s31+$0x0], $0xffff  }
0x188: {  	v9 =	vld.idx.msk [tilespmem:v9+s31+$0x0], $0xffff;
	[tilespmem:s0+$0xFFFFF070] =	vst v17  }
0x189: {  	[tilespmem:s0+$0xFFFFF010] =	vst v0;
	v0 =	vld.idx.msk [tilespmem:v23+s31+$0x0], $0xffff  }
0x18a: {  	v10 =	vld.idx.msk [tilespmem:v10+s31+$0x0], $0xffff;
	[tilespmem:s0+$0xFFFFF020] =	vst v1  }
0x18b: {  	v1 =	vld.idx.msk [tilespmem:v5+s31+$0x0], $0xffff;
	[tilespmem:s0+$0xFFFFF030] =	vst v3;
	v3 =	vadd.s32 $0x1000, v6  }
0x18c: {  	v5 =	vld.idx.msk [tilespmem:v11+s31+$0x0], $0xffff;
	[tilespmem:s0+$0xFFFFF040] =	vst v2  }
0x18d: {  	v2 =	vld.idx.msk [tilespmem:v14+s31+$0x0], $0xffff;
	[tilespmem:s0+$0xFFFFF050] =	vst v4  }
0x18e: {  	v4 =	vld.idx.msk [tilespmem:v18+s31+$0x0], $0xffff;
	[tilespmem:s0+$0xFFFFF060] =	vst v9  }
0x18f: {  	v9 =	vld.idx.msk [tilespmem:v21+s31+$0x0], $0xffff;
	[tilespmem:s0+$0xFFFFF870] =	vst v0  }
0x190: {  	[tilespmem:s0+$0xFFFFF000] =	vst v10;
	v0 =	vld.idx.msk [tilespmem:v3+s31+$0x0], $0xffff  }
0x191: {  	v3 =	vld.idx.msk [tilespmem:v27+s31+$0x0], $0xffff;
	[tilespmem:s0+$0xFFFFF810] =	vst v1  }
0x192: {  	[tilespmem:s0+$0xFFFFF820] =	vst v5;
	v1 =	vld.idx.msk [tilespmem:v25+s31+$0x0], $0xffff;
	v5 =	vadd.s32 $0x1800, v6  }
0x193: {  	v6 =	vld.idx.msk [tilespmem:v7+s31+$0x0], $0xffff;
	[tilespmem:s0+$0xFFFFF830] =	vst v2  }
0x194: {  	v2 =	vld.idx.msk [tilespmem:v12+s31+$0x0], $0xffff;
	[tilespmem:s0+$0xFFFFF840] =	vst v4  }
0x195: {  	v4 =	vld.idx.msk [tilespmem:v15+s31+$0x0], $0xffff;
	[tilespmem:s0+$0xFFFFF850] =	vst v9  }
0x196: {  	v7 =	vld.idx.msk [tilespmem:v19+s31+$0x0], $0xffff;
	[tilespmem:s0+$0x70] =	vst v0  }
0x197: {  	[tilespmem:s0+$0xFFFFF800] =	vst v3;
	v3 =	vld.idx.msk [tilespmem:v5+s31+$0x0], $0xffff  }
0x198: {  	v5 =	vld.idx.msk [tilespmem:v28+s31+$0x0], $0xffff;
	[tilespmem:s0+$0xFFFFF860] =	vst v1  }
0x199: {  	[tilespmem:s0+$0x10] =	vst v6;
	v6 =	vld.idx.msk [tilespmem:v22+s31+$0x0], $0xffff  }
0x19a: {  	[tilespmem:s0+$0x20] =	vst v2;
	v9 =	vld.idx.msk [tilespmem:v26+s31+$0x0], $0xffff  }
0x19b: {  	v8 =	vld.idx.msk [tilespmem:v8+s31+$0x0], $0xffff;
	[tilespmem:s0+$0x30] =	vst v4  }
0x19c: {  	v0 =	vld.idx.msk [tilespmem:v13+s31+$0x0], $0xffff;
	[tilespmem:s0+$0x40] =	vst v7  }
.Ltmp5:
0x19d: {  	v1 =	vld.idx.msk [tilespmem:v16+s31+$0x0], $0xffff;
	[tilespmem:s0+$0x870] =	vst v3;
	(pc) =	sbr.rel @p0 .LBB2_8-.Ltmp5, $4  }
0x19e: {  	[tilespmem:s0+$0x0] =	vst v5;
	v3 =	vld.idx.msk [tilespmem:v20+s31+$0x0], $0xffff  }
0x19f: {  	v2 =	vld.idx.msk [tilespmem:v29+s31+$0x0], $0xffff;
	[tilespmem:s0+$0x50] =	vst v6  }
0x1a0: {  	v4 =	vld.idx.msk [tilespmem:v24+s31+$0x0], $0xffff;
	[tilespmem:s0+$0x60] =	vst v9  }
0x1a1: {  	s25 =	sadd.s32 $0x80, s25;
	[tilespmem:s0+$0x810] =	vst v8;
	v5 =	vld.idx.msk [tilespmem:v30+s31+$0x0], $0xffff  }
0x1a2: {  	[tilespmem:s0+$0x820] =	vst v0  }
0x1a3: {  	[tilespmem:s0+$0x830] =	vst v1  }
0x1a4: {  	[tilespmem:s0+$0x840] =	vst v3  }
0x1a5: {  	[tilespmem:s0+$0x800] =	vst v2  }
0x1a6: {  	[tilespmem:s0+$0x850] =	vst v4  }
0x1a7: {  	[tilespmem:s0+$0x860] =	vst v5  }
0x1a8: {  	s26 =	simm.s32 $0x0;
	s0 =	rddreg [dreg:$0xe]  }
0x1a9: {  	[hbm4b:s0+s26] =	stream.linear.scatter [tilespmem:s12], [sflag:$0x8], $0x2000, $0x38;
	[tilespmem:$0x10800] =	vst v63  }
0x1aa: {  	s25 =	rddreg [dreg:$0x10]  }
0x1ab: {  	[tilespmem:s31], [sflag:$0x4] =	stream.linear.gather [hbm4b:s25+s26], $0x2000, $0x38;
	[tilespmem:$0x10800] =	vst v63  }
.LBB2_10:
0x1ac: {  	_ =	swait.ge [sflag:s3], $0x2000  }
0x1ad: {  	[sflag:s3] =	ssyncset.done $0x0  }
0x1ae: {  	[sflag:s3] =	ssyncadd.s32 $0xFFFFE000  }
0x1af: {  	_ =	swait.ge [sflag:s13], $0x2000  }
0x1b0: {  	[sflag:s13] =	ssyncset.done $0x0  }
0x1b1: {  	s0 =	simm.s32 $0x40;
	[sflag:s13] =	ssyncadd.s32 $0xFFFFE000  }
0x1b2: {  	v0 =	vld [tilespmem:s0+$0x30]  }
0x1b3: {  	v1 =	vld [tilespmem:s0+$0xFFFFFFD0]  }
0x1b4: {  	v2 =	vld [tilespmem:s0+$0xFFFFFFE0]  }
0x1b5: {  	v3 =	vld [tilespmem:s0+$0xFFFFFFF0]  }
0x1b6: {  	v4 =	vld [tilespmem:s0+$0x0]  }
0x1b7: {  	v5 =	vld [tilespmem:s0+$0x10]  }
0x1b8: {  	v6 =	vld [tilespmem:s0+$0x20]  }
0x1b9: {  	v7 =	vld [tilespmem:s0+$0xFFFFFFC0]  }
0x1ba: {  	v8 =	vld.idx.msk [tilespmem:v0+s28+$0x0], $0xffff  }
0x1bb: {  	v9 =	vld.idx.msk [tilespmem:v1+s28+$0x0], $0xffff  }
0x1bc: {  	v10 =	vld.idx.msk [tilespmem:v2+s28+$0x0], $0xffff  }
0x1bd: {  	v11 =	vadd.s32 $0x800, v0;
	v12 =	vld.idx.msk [tilespmem:v3+s28+$0x0], $0xffff  }
0x1be: {  	v13 =	vadd.s32 $0x800, v1;
	v14 =	vld.idx.msk [tilespmem:v4+s28+$0x0], $0xffff  }
0x1bf: {  	s0 =	simm.s32 $0x9800;
	v15 =	vadd.s32 $0x800, v2;
	v16 =	vld.idx.msk [tilespmem:v5+s28+$0x0], $0xffff  }
0x1c0: {  	v17 =	vadd.s32 $0x800, v3;
	v18 =	vld.idx.msk [tilespmem:v6+s28+$0x0], $0xffff;
	[tilespmem:s0+$0xFFFFF070] =	vst v8  }
0x1c1: {  	v44 =	vadd.s32 $0x800, v4;
	v19 =	vld.idx.msk [tilespmem:v7+s28+$0x0], $0xffff;
	[tilespmem:s0+$0xFFFFF010] =	vst v9  }
0x1c2: {  	v46 =	vadd.s32 $0x800, v5;
	[tilespmem:s0+$0xFFFFF020] =	vst v10;
	v45 =	vld.idx.msk [tilespmem:v11+s28+$0x0], $0xffff  }
0x1c3: {  	v49 =	vadd.s32 $0x800, v7;
	[tilespmem:s0+$0xFFFFF030] =	vst v12;
	v47 =	vld.idx.msk [tilespmem:v13+s28+$0x0], $0xffff  }
0x1c4: {  	v50 =	vadd.s32 $0x800, v6;
	[tilespmem:s0+$0xFFFFF040] =	vst v14;
	v15 =	vld.idx.msk [tilespmem:v15+s28+$0x0], $0xffff  }
0x1c5: {  	v48 =	vadd.s32 $0x1000, v0;
	[tilespmem:s0+$0xFFFFF050] =	vst v16;
	v17 =	vld.idx.msk [tilespmem:v17+s28+$0x0], $0xffff  }
0x1c6: {  	v51 =	vadd.s32 $0x1000, v1;
	[tilespmem:s0+$0xFFFFF060] =	vst v18;
	v8 =	vld.idx.msk [tilespmem:v44+s28+$0x0], $0xffff  }
0x1c7: {  	v52 =	vadd.s32 $0x1000, v2;
	[tilespmem:s0+$0xFFFFF000] =	vst v19;
	v11 =	vld.idx.msk [tilespmem:v46+s28+$0x0], $0xffff  }
0x1c8: {  	v53 =	vadd.s32 $0x1000, v3;
	v13 =	vld.idx.msk [tilespmem:v49+s28+$0x0], $0xffff;
	[tilespmem:s0+$0xFFFFF870] =	vst v45  }
0x1c9: {  	v54 =	vadd.s32 $0x1000, v4;
	v55 =	vld.idx.msk [tilespmem:v50+s28+$0x0], $0xffff;
	[tilespmem:s0+$0xFFFFF810] =	vst v47  }
0x1ca: {  	v56 =	vadd.s32 $0x1000, v7;
	[tilespmem:s0+$0xFFFFF820] =	vst v15;
	v12 =	vld.idx.msk [tilespmem:v48+s28+$0x0], $0xffff  }
0x1cb: {  	v58 =	vadd.s32 $0x1000, v5;
	[tilespmem:s0+$0xFFFFF830] =	vst v17;
	v57 =	vld.idx.msk [tilespmem:v51+s28+$0x0], $0xffff  }
0x1cc: {  	v60 =	vadd.s32 $0x1000, v6;
	[tilespmem:s0+$0xFFFFF840] =	vst v8;
	v59 =	vld.idx.msk [tilespmem:v52+s28+$0x0], $0xffff  }
0x1cd: {  	v0 =	vadd.s32 $0x1800, v0;
	[tilespmem:s0+$0xFFFFF850] =	vst v11;
	v9 =	vld.idx.msk [tilespmem:v53+s28+$0x0], $0xffff  }
0x1ce: {  	v1 =	vadd.s32 $0x1800, v1;
	[tilespmem:s0+$0xFFFFF800] =	vst v13;
	v61 =	vld.idx.msk [tilespmem:v54+s28+$0x0], $0xffff  }
0x1cf: {  	v2 =	vadd.s32 $0x1800, v2;
	[tilespmem:s0+$0xFFFFF860] =	vst v55;
	v13 =	vld.idx.msk [tilespmem:v56+s28+$0x0], $0xffff  }
0x1d0: {  	v3 =	vadd.s32 $0x1800, v3;
	v62 =	vld.idx.msk [tilespmem:v58+s28+$0x0], $0xffff;
	[tilespmem:s0+$0x70] =	vst v12  }
0x1d1: {  	v4 =	vadd.s32 $0x1800, v4;
	v8 =	vld.idx.msk [tilespmem:v60+s28+$0x0], $0xffff;
	[tilespmem:s0+$0x10] =	vst v57  }
0x1d2: {  	v7 =	vadd.s32 $0x1800, v7;
	[tilespmem:s0+$0x20] =	vst v59;
	v12 =	vld.idx.msk [tilespmem:v0+s28+$0x0], $0xffff  }
0x1d3: {  	v5 =	vadd.s32 $0x1800, v5;
	[tilespmem:s0+$0x30] =	vst v9;
	v63 =	vld.idx.msk [tilespmem:v1+s28+$0x0], $0xffff  }
0x1d4: {  	v6 =	vadd.s32 $0x1800, v6;
	[tilespmem:s0+$0x40] =	vst v61;
	v0 =	vld.idx.msk [tilespmem:v2+s28+$0x0], $0xffff  }
0x1d5: {  	[tilespmem:s0+$0x0] =	vst v13;
	v1 =	vld.idx.msk [tilespmem:v3+s28+$0x0], $0xffff  }
0x1d6: {  	[tilespmem:s0+$0x50] =	vst v62;
	v4 =	vld.idx.msk [tilespmem:v4+s28+$0x0], $0xffff  }
0x1d7: {  	[tilespmem:s0+$0x60] =	vst v8;
	v2 =	vld.idx.msk [tilespmem:v7+s28+$0x0], $0xffff  }
0x1d8: {  	v3 =	vld.idx.msk [tilespmem:v5+s28+$0x0], $0xffff;
	[tilespmem:s0+$0x870] =	vst v12  }
0x1d9: {  	s6 =	simm.s32 $0x0;
	s25 =	simm.s32 $0xC0;
	v5 =	vld.idx.msk [tilespmem:v6+s28+$0x0], $0xffff;
	[tilespmem:s0+$0x810] =	vst v63  }
.LBB2_11:
0x1da: {  	v6 =	vld [tilespmem:s25+$0x30];
	s6 =	sadd.s32 $0x80, s6;
	[tilespmem:s0+$0x820] =	vst v0  }
0x1db: {  	v0 =	vld [tilespmem:s25+$0xFFFFFFD0];
	p0 =	slt.u32 s6, $0x780;
	[tilespmem:s0+$0x830] =	vst v1  }
0x1dc: {  	v1 =	vld [tilespmem:s25+$0xFFFFFFE0];
	[tilespmem:s0+$0x840] =	vst v4  }
0x1dd: {  	v4 =	vld [tilespmem:s25+$0xFFFFFFF0];
	[tilespmem:s0+$0x800] =	vst v2  }
0x1de: {  	v2 =	vld [tilespmem:s25+$0x0];
	[tilespmem:s0+$0x850] =	vst v3  }
0x1df: {  	v3 =	vld [tilespmem:s25+$0x10];
	[tilespmem:s0+$0x860] =	vst v5  }
0x1e0: {  	v5 =	vadd.s32 $0x800, v0;
	v7 =	vadd.s32 $0x1000, v0;
	v8 =	vadd.s32 $0x1800, v0;
	v9 =	vld [tilespmem:s25+$0x20]  }
0x1e1: {  	v10 =	vld [tilespmem:s25+$0xFFFFFFC0];
	v11 =	vadd.s32 $0x800, v1;
	v12 =	vadd.s32 $0x1000, v1;
	v13 =	vadd.s32 $0x1800, v1  }
0x1e2: {  	v14 =	vadd.s32 $0x800, v4;
	v15 =	vadd.s32 $0x1000, v4;
	v16 =	vadd.s32 $0x1800, v4;
	v17 =	vld.idx.msk [tilespmem:v6+s28+$0x0], $0xffff  }
0x1e3: {  	v0 =	vld.idx.msk [tilespmem:v0+s28+$0x0], $0xffff;
	v18 =	vadd.s32 $0x800, v2;
	v19 =	vadd.s32 $0x1000, v2;
	v20 =	vadd.s32 $0x1800, v2  }
0x1e4: {  	v23 =	vadd.s32 $0x800, v6;
	v1 =	vld.idx.msk [tilespmem:v1+s28+$0x0], $0xffff;
	v21 =	vadd.s32 $0x800, v3;
	v22 =	vadd.s32 $0x1000, v3  }
0x1e5: {  	v24 =	vadd.s32 $0x1800, v3;
	v4 =	vld.idx.msk [tilespmem:v4+s28+$0x0], $0xffff;
	v25 =	vadd.s32 $0x800, v9;
	v26 =	vadd.s32 $0x1000, v9  }
0x1e6: {  	v27 =	vadd.s32 $0x800, v10;
	v28 =	vadd.s32 $0x1000, v10;
	v29 =	vadd.s32 $0x1800, v10;
	v2 =	vld.idx.msk [tilespmem:v2+s28+$0x0], $0xffff  }
0x1e7: {  	s0 =	sadd.s32 $0x80, s0;
	v30 =	vadd.s32 $0x1800, v9;
	v3 =	vld.idx.msk [tilespmem:v3+s28+$0x0], $0xffff  }
0x1e8: {  	v9 =	vld.idx.msk [tilespmem:v9+s28+$0x0], $0xffff;
	[tilespmem:s0+$0xFFFFF070] =	vst v17  }
0x1e9: {  	[tilespmem:s0+$0xFFFFF010] =	vst v0;
	v0 =	vld.idx.msk [tilespmem:v23+s28+$0x0], $0xffff  }
0x1ea: {  	v10 =	vld.idx.msk [tilespmem:v10+s28+$0x0], $0xffff;
	[tilespmem:s0+$0xFFFFF020] =	vst v1  }
0x1eb: {  	v1 =	vld.idx.msk [tilespmem:v5+s28+$0x0], $0xffff;
	[tilespmem:s0+$0xFFFFF030] =	vst v4;
	v4 =	vadd.s32 $0x1000, v6  }
0x1ec: {  	v5 =	vld.idx.msk [tilespmem:v11+s28+$0x0], $0xffff;
	[tilespmem:s0+$0xFFFFF040] =	vst v2  }
0x1ed: {  	v2 =	vld.idx.msk [tilespmem:v14+s28+$0x0], $0xffff;
	[tilespmem:s0+$0xFFFFF050] =	vst v3  }
0x1ee: {  	v3 =	vld.idx.msk [tilespmem:v18+s28+$0x0], $0xffff;
	[tilespmem:s0+$0xFFFFF060] =	vst v9  }
0x1ef: {  	v9 =	vld.idx.msk [tilespmem:v21+s28+$0x0], $0xffff;
	[tilespmem:s0+$0xFFFFF870] =	vst v0  }
0x1f0: {  	[tilespmem:s0+$0xFFFFF000] =	vst v10;
	v0 =	vld.idx.msk [tilespmem:v4+s28+$0x0], $0xffff  }
0x1f1: {  	v4 =	vld.idx.msk [tilespmem:v27+s28+$0x0], $0xffff;
	[tilespmem:s0+$0xFFFFF810] =	vst v1  }
0x1f2: {  	[tilespmem:s0+$0xFFFFF820] =	vst v5;
	v1 =	vld.idx.msk [tilespmem:v25+s28+$0x0], $0xffff;
	v5 =	vadd.s32 $0x1800, v6  }
0x1f3: {  	v6 =	vld.idx.msk [tilespmem:v7+s28+$0x0], $0xffff;
	[tilespmem:s0+$0xFFFFF830] =	vst v2  }
0x1f4: {  	v2 =	vld.idx.msk [tilespmem:v12+s28+$0x0], $0xffff;
	[tilespmem:s0+$0xFFFFF840] =	vst v3  }
0x1f5: {  	v3 =	vld.idx.msk [tilespmem:v15+s28+$0x0], $0xffff;
	[tilespmem:s0+$0xFFFFF850] =	vst v9  }
0x1f6: {  	v7 =	vld.idx.msk [tilespmem:v19+s28+$0x0], $0xffff;
	[tilespmem:s0+$0x70] =	vst v0  }
0x1f7: {  	[tilespmem:s0+$0xFFFFF800] =	vst v4;
	v4 =	vld.idx.msk [tilespmem:v5+s28+$0x0], $0xffff  }
0x1f8: {  	v5 =	vld.idx.msk [tilespmem:v28+s28+$0x0], $0xffff;
	[tilespmem:s0+$0xFFFFF860] =	vst v1  }
0x1f9: {  	[tilespmem:s0+$0x10] =	vst v6;
	v6 =	vld.idx.msk [tilespmem:v22+s28+$0x0], $0xffff  }
0x1fa: {  	[tilespmem:s0+$0x20] =	vst v2;
	v9 =	vld.idx.msk [tilespmem:v26+s28+$0x0], $0xffff  }
0x1fb: {  	v8 =	vld.idx.msk [tilespmem:v8+s28+$0x0], $0xffff;
	[tilespmem:s0+$0x30] =	vst v3  }
0x1fc: {  	v0 =	vld.idx.msk [tilespmem:v13+s28+$0x0], $0xffff;
	[tilespmem:s0+$0x40] =	vst v7  }
.Ltmp6:
0x1fd: {  	v1 =	vld.idx.msk [tilespmem:v16+s28+$0x0], $0xffff;
	[tilespmem:s0+$0x870] =	vst v4;
	(pc) =	sbr.rel @p0 .LBB2_11-.Ltmp6, $4  }
0x1fe: {  	[tilespmem:s0+$0x0] =	vst v5;
	v4 =	vld.idx.msk [tilespmem:v20+s28+$0x0], $0xffff  }
0x1ff: {  	v2 =	vld.idx.msk [tilespmem:v29+s28+$0x0], $0xffff;
	[tilespmem:s0+$0x50] =	vst v6  }
0x200: {  	v3 =	vld.idx.msk [tilespmem:v24+s28+$0x0], $0xffff;
	[tilespmem:s0+$0x60] =	vst v9  }
0x201: {  	s25 =	sadd.s32 $0x80, s25;
	[tilespmem:s0+$0x810] =	vst v8;
	v5 =	vld.idx.msk [tilespmem:v30+s28+$0x0], $0xffff  }
0x202: {  	[tilespmem:s0+$0x820] =	vst v0  }
0x203: {  	[tilespmem:s0+$0x830] =	vst v1  }
0x204: {  	s6 =	sshll.u32 s26, $0xF;
	[tilespmem:s0+$0x840] =	vst v4  }
0x205: {  	s2 =	sadd.s32 s6, s17;
	[tilespmem:s0+$0x800] =	vst v2  }
0x206: {  	p0 =	seq.s32 s26, $0x1E;
	s2 =	sshrl.u32 s2, $0x3;
	[tilespmem:s0+$0x850] =	vst v3  }
0x207: {  	s25 =	simm.s32 $0x8800;
	s2 =	sadd.s32 s5, s2;
	[tilespmem:s0+$0x860] =	vst v5;
	s0 =	sadd.s32 @!p0 s6, s18  }
0x208: {  	[hbm4b:s2+s4] =	stream.linear.scatter [tilespmem:s25], [sflag:$0x5], $0x2000, $0x38;
	[tilespmem:$0x10800] =	vst v63  }
0x209: {  	s0 =	sshrl.u32 @!p0 s0, $0x3  }
0x20a: {  	s2 =	simm.s32 @!p0 $0x0;
	s25 =	simm.s32 @!p0 $0x800;
	s0 =	sadd.s32 @!p0 s1, s0  }
0x20b: {  	[tilespmem:s25], [sflag:$0x1] =	stream.linear.gather @!p0 [hbm4b:s0+s2], $0x2000, $0x38;
	[tilespmem:$0x10800] =	vst v63  }
0x20c: {  	_ =	swait.ge [sflag:s7], $0x2000  }
0x20d: {  	[sflag:s7] =	ssyncset.done $0x0  }
0x20e: {  	[sflag:s7] =	ssyncadd.s32 $0xFFFFE000  }
0x20f: {  	_ =	swait.ge [sflag:s14], $0x2000  }
0x210: {  	[sflag:s14] =	ssyncset.done $0x0  }
0x211: {  	s25 =	simm.s32 $0x40;
	[sflag:s14] =	ssyncadd.s32 $0xFFFFE000  }
0x212: {  	v0 =	vld [tilespmem:s25+$0x30]  }
0x213: {  	v1 =	vld [tilespmem:s25+$0xFFFFFFD0]  }
0x214: {  	v2 =	vld [tilespmem:s25+$0xFFFFFFE0]  }
0x215: {  	v3 =	vld [tilespmem:s25+$0xFFFFFFF0]  }
0x216: {  	v4 =	vld [tilespmem:s25+$0x0]  }
0x217: {  	v5 =	vld [tilespmem:s25+$0x10]  }
0x218: {  	v6 =	vld [tilespmem:s25+$0x20]  }
0x219: {  	v7 =	vld [tilespmem:s25+$0xFFFFFFC0]  }
0x21a: {  	v8 =	vld.idx.msk [tilespmem:v0+s29+$0x0], $0xffff  }
0x21b: {  	v9 =	vld.idx.msk [tilespmem:v1+s29+$0x0], $0xffff  }
0x21c: {  	v10 =	vld.idx.msk [tilespmem:v2+s29+$0x0], $0xffff  }
0x21d: {  	v11 =	vadd.s32 $0x800, v0;
	v12 =	vld.idx.msk [tilespmem:v3+s29+$0x0], $0xffff  }
0x21e: {  	v13 =	vadd.s32 $0x800, v1;
	v14 =	vld.idx.msk [tilespmem:v4+s29+$0x0], $0xffff  }
0x21f: {  	s0 =	simm.s32 $0xB800;
	v15 =	vadd.s32 $0x800, v2;
	v16 =	vld.idx.msk [tilespmem:v5+s29+$0x0], $0xffff  }
0x220: {  	v17 =	vadd.s32 $0x800, v3;
	v18 =	vld.idx.msk [tilespmem:v6+s29+$0x0], $0xffff;
	[tilespmem:s0+$0xFFFFF070] =	vst v8  }
0x221: {  	v44 =	vadd.s32 $0x800, v4;
	v19 =	vld.idx.msk [tilespmem:v7+s29+$0x0], $0xffff;
	[tilespmem:s0+$0xFFFFF010] =	vst v9  }
0x222: {  	v46 =	vadd.s32 $0x800, v5;
	[tilespmem:s0+$0xFFFFF020] =	vst v10;
	v45 =	vld.idx.msk [tilespmem:v11+s29+$0x0], $0xffff  }
0x223: {  	v49 =	vadd.s32 $0x800, v7;
	[tilespmem:s0+$0xFFFFF030] =	vst v12;
	v47 =	vld.idx.msk [tilespmem:v13+s29+$0x0], $0xffff  }
0x224: {  	v50 =	vadd.s32 $0x800, v6;
	[tilespmem:s0+$0xFFFFF040] =	vst v14;
	v15 =	vld.idx.msk [tilespmem:v15+s29+$0x0], $0xffff  }
0x225: {  	v48 =	vadd.s32 $0x1000, v0;
	[tilespmem:s0+$0xFFFFF050] =	vst v16;
	v17 =	vld.idx.msk [tilespmem:v17+s29+$0x0], $0xffff  }
0x226: {  	v51 =	vadd.s32 $0x1000, v1;
	[tilespmem:s0+$0xFFFFF060] =	vst v18;
	v8 =	vld.idx.msk [tilespmem:v44+s29+$0x0], $0xffff  }
0x227: {  	v52 =	vadd.s32 $0x1000, v2;
	[tilespmem:s0+$0xFFFFF000] =	vst v19;
	v11 =	vld.idx.msk [tilespmem:v46+s29+$0x0], $0xffff  }
0x228: {  	v53 =	vadd.s32 $0x1000, v3;
	v13 =	vld.idx.msk [tilespmem:v49+s29+$0x0], $0xffff;
	[tilespmem:s0+$0xFFFFF870] =	vst v45  }
0x229: {  	v54 =	vadd.s32 $0x1000, v4;
	v55 =	vld.idx.msk [tilespmem:v50+s29+$0x0], $0xffff;
	[tilespmem:s0+$0xFFFFF810] =	vst v47  }
0x22a: {  	v56 =	vadd.s32 $0x1000, v7;
	[tilespmem:s0+$0xFFFFF820] =	vst v15;
	v12 =	vld.idx.msk [tilespmem:v48+s29+$0x0], $0xffff  }
0x22b: {  	v58 =	vadd.s32 $0x1000, v5;
	[tilespmem:s0+$0xFFFFF830] =	vst v17;
	v57 =	vld.idx.msk [tilespmem:v51+s29+$0x0], $0xffff  }
0x22c: {  	v60 =	vadd.s32 $0x1000, v6;
	[tilespmem:s0+$0xFFFFF840] =	vst v8;
	v59 =	vld.idx.msk [tilespmem:v52+s29+$0x0], $0xffff  }
0x22d: {  	v0 =	vadd.s32 $0x1800, v0;
	[tilespmem:s0+$0xFFFFF850] =	vst v11;
	v9 =	vld.idx.msk [tilespmem:v53+s29+$0x0], $0xffff  }
0x22e: {  	v1 =	vadd.s32 $0x1800, v1;
	[tilespmem:s0+$0xFFFFF800] =	vst v13;
	v61 =	vld.idx.msk [tilespmem:v54+s29+$0x0], $0xffff  }
0x22f: {  	v2 =	vadd.s32 $0x1800, v2;
	[tilespmem:s0+$0xFFFFF860] =	vst v55;
	v13 =	vld.idx.msk [tilespmem:v56+s29+$0x0], $0xffff  }
0x230: {  	v3 =	vadd.s32 $0x1800, v3;
	v62 =	vld.idx.msk [tilespmem:v58+s29+$0x0], $0xffff;
	[tilespmem:s0+$0x70] =	vst v12  }
0x231: {  	v4 =	vadd.s32 $0x1800, v4;
	v8 =	vld.idx.msk [tilespmem:v60+s29+$0x0], $0xffff;
	[tilespmem:s0+$0x10] =	vst v57  }
0x232: {  	v7 =	vadd.s32 $0x1800, v7;
	[tilespmem:s0+$0x20] =	vst v59;
	v12 =	vld.idx.msk [tilespmem:v0+s29+$0x0], $0xffff  }
0x233: {  	v5 =	vadd.s32 $0x1800, v5;
	[tilespmem:s0+$0x30] =	vst v9;
	v63 =	vld.idx.msk [tilespmem:v1+s29+$0x0], $0xffff  }
0x234: {  	v6 =	vadd.s32 $0x1800, v6;
	[tilespmem:s0+$0x40] =	vst v61;
	v0 =	vld.idx.msk [tilespmem:v2+s29+$0x0], $0xffff  }
0x235: {  	[tilespmem:s0+$0x0] =	vst v13;
	v1 =	vld.idx.msk [tilespmem:v3+s29+$0x0], $0xffff  }
0x236: {  	[tilespmem:s0+$0x50] =	vst v62;
	v4 =	vld.idx.msk [tilespmem:v4+s29+$0x0], $0xffff  }
0x237: {  	[tilespmem:s0+$0x60] =	vst v8;
	v2 =	vld.idx.msk [tilespmem:v7+s29+$0x0], $0xffff  }
0x238: {  	v3 =	vld.idx.msk [tilespmem:v5+s29+$0x0], $0xffff;
	[tilespmem:s0+$0x870] =	vst v12  }
0x239: {  	s2 =	simm.s32 $0xC0;
	s25 =	simm.s32 $0x0;
	v5 =	vld.idx.msk [tilespmem:v6+s29+$0x0], $0xffff;
	[tilespmem:s0+$0x810] =	vst v63  }
.LBB2_13:
0x23a: {  	v6 =	vld [tilespmem:s2+$0x30];
	s25 =	sadd.s32 $0x80, s25;
	[tilespmem:s0+$0x820] =	vst v0  }
0x23b: {  	v0 =	vld [tilespmem:s2+$0xFFFFFFD0];
	p1 =	slt.u32 s25, $0x780;
	[tilespmem:s0+$0x830] =	vst v1  }
0x23c: {  	v1 =	vld [tilespmem:s2+$0xFFFFFFE0];
	[tilespmem:s0+$0x840] =	vst v4  }
0x23d: {  	v4 =	vld [tilespmem:s2+$0xFFFFFFF0];
	[tilespmem:s0+$0x800] =	vst v2  }
0x23e: {  	v2 =	vld [tilespmem:s2+$0x0];
	[tilespmem:s0+$0x850] =	vst v3  }
0x23f: {  	v3 =	vld [tilespmem:s2+$0x10];
	[tilespmem:s0+$0x860] =	vst v5  }
0x240: {  	v5 =	vadd.s32 $0x800, v0;
	v7 =	vadd.s32 $0x1000, v0;
	v8 =	vadd.s32 $0x1800, v0;
	v9 =	vld [tilespmem:s2+$0x20]  }
0x241: {  	v10 =	vld [tilespmem:s2+$0xFFFFFFC0];
	v11 =	vadd.s32 $0x800, v1;
	v12 =	vadd.s32 $0x1000, v1;
	v13 =	vadd.s32 $0x1800, v1  }
0x242: {  	v14 =	vadd.s32 $0x800, v4;
	v15 =	vadd.s32 $0x1000, v4;
	v16 =	vadd.s32 $0x1800, v4;
	v17 =	vld.idx.msk [tilespmem:v6+s29+$0x0], $0xffff  }
0x243: {  	v0 =	vld.idx.msk [tilespmem:v0+s29+$0x0], $0xffff;
	v18 =	vadd.s32 $0x800, v2;
	v19 =	vadd.s32 $0x1000, v2;
	v20 =	vadd.s32 $0x1800, v2  }
0x244: {  	v23 =	vadd.s32 $0x800, v6;
	v1 =	vld.idx.msk [tilespmem:v1+s29+$0x0], $0xffff;
	v21 =	vadd.s32 $0x800, v3;
	v22 =	vadd.s32 $0x1000, v3  }
0x245: {  	v24 =	vadd.s32 $0x1800, v3;
	v4 =	vld.idx.msk [tilespmem:v4+s29+$0x0], $0xffff;
	v25 =	vadd.s32 $0x800, v9;
	v26 =	vadd.s32 $0x1000, v9  }
0x246: {  	v27 =	vadd.s32 $0x800, v10;
	v28 =	vadd.s32 $0x1000, v10;
	v29 =	vadd.s32 $0x1800, v10;
	v2 =	vld.idx.msk [tilespmem:v2+s29+$0x0], $0xffff  }
0x247: {  	s0 =	sadd.s32 $0x80, s0;
	v30 =	vadd.s32 $0x1800, v9;
	v3 =	vld.idx.msk [tilespmem:v3+s29+$0x0], $0xffff  }
0x248: {  	v9 =	vld.idx.msk [tilespmem:v9+s29+$0x0], $0xffff;
	[tilespmem:s0+$0xFFFFF070] =	vst v17  }
0x249: {  	[tilespmem:s0+$0xFFFFF010] =	vst v0;
	v0 =	vld.idx.msk [tilespmem:v23+s29+$0x0], $0xffff  }
0x24a: {  	v10 =	vld.idx.msk [tilespmem:v10+s29+$0x0], $0xffff;
	[tilespmem:s0+$0xFFFFF020] =	vst v1  }
0x24b: {  	v1 =	vld.idx.msk [tilespmem:v5+s29+$0x0], $0xffff;
	[tilespmem:s0+$0xFFFFF030] =	vst v4;
	v4 =	vadd.s32 $0x1000, v6  }
0x24c: {  	v5 =	vld.idx.msk [tilespmem:v11+s29+$0x0], $0xffff;
	[tilespmem:s0+$0xFFFFF040] =	vst v2  }
0x24d: {  	v2 =	vld.idx.msk [tilespmem:v14+s29+$0x0], $0xffff;
	[tilespmem:s0+$0xFFFFF050] =	vst v3  }
0x24e: {  	v3 =	vld.idx.msk [tilespmem:v18+s29+$0x0], $0xffff;
	[tilespmem:s0+$0xFFFFF060] =	vst v9  }
0x24f: {  	v9 =	vld.idx.msk [tilespmem:v21+s29+$0x0], $0xffff;
	[tilespmem:s0+$0xFFFFF870] =	vst v0  }
0x250: {  	[tilespmem:s0+$0xFFFFF000] =	vst v10;
	v0 =	vld.idx.msk [tilespmem:v4+s29+$0x0], $0xffff  }
0x251: {  	v4 =	vld.idx.msk [tilespmem:v27+s29+$0x0], $0xffff;
	[tilespmem:s0+$0xFFFFF810] =	vst v1  }
0x252: {  	[tilespmem:s0+$0xFFFFF820] =	vst v5;
	v1 =	vld.idx.msk [tilespmem:v25+s29+$0x0], $0xffff;
	v5 =	vadd.s32 $0x1800, v6  }
0x253: {  	v6 =	vld.idx.msk [tilespmem:v7+s29+$0x0], $0xffff;
	[tilespmem:s0+$0xFFFFF830] =	vst v2  }
0x254: {  	v2 =	vld.idx.msk [tilespmem:v12+s29+$0x0], $0xffff;
	[tilespmem:s0+$0xFFFFF840] =	vst v3  }
0x255: {  	v3 =	vld.idx.msk [tilespmem:v15+s29+$0x0], $0xffff;
	[tilespmem:s0+$0xFFFFF850] =	vst v9  }
0x256: {  	v7 =	vld.idx.msk [tilespmem:v19+s29+$0x0], $0xffff;
	[tilespmem:s0+$0x70] =	vst v0  }
0x257: {  	[tilespmem:s0+$0xFFFFF800] =	vst v4;
	v4 =	vld.idx.msk [tilespmem:v5+s29+$0x0], $0xffff  }
0x258: {  	v5 =	vld.idx.msk [tilespmem:v28+s29+$0x0], $0xffff;
	[tilespmem:s0+$0xFFFFF860] =	vst v1  }
0x259: {  	[tilespmem:s0+$0x10] =	vst v6;
	v6 =	vld.idx.msk [tilespmem:v22+s29+$0x0], $0xffff  }
0x25a: {  	[tilespmem:s0+$0x20] =	vst v2;
	v9 =	vld.idx.msk [tilespmem:v26+s29+$0x0], $0xffff  }
0x25b: {  	v8 =	vld.idx.msk [tilespmem:v8+s29+$0x0], $0xffff;
	[tilespmem:s0+$0x30] =	vst v3  }
0x25c: {  	v0 =	vld.idx.msk [tilespmem:v13+s29+$0x0], $0xffff;
	[tilespmem:s0+$0x40] =	vst v7  }
.Ltmp7:
0x25d: {  	v1 =	vld.idx.msk [tilespmem:v16+s29+$0x0], $0xffff;
	[tilespmem:s0+$0x870] =	vst v4;
	(pc) =	sbr.rel @p1 .LBB2_13-.Ltmp7, $4  }
0x25e: {  	[tilespmem:s0+$0x0] =	vst v5;
	v4 =	vld.idx.msk [tilespmem:v20+s29+$0x0], $0xffff  }
0x25f: {  	v2 =	vld.idx.msk [tilespmem:v29+s29+$0x0], $0xffff;
	[tilespmem:s0+$0x50] =	vst v6  }
0x260: {  	v3 =	vld.idx.msk [tilespmem:v24+s29+$0x0], $0xffff;
	[tilespmem:s0+$0x60] =	vst v9  }
0x261: {  	s2 =	sadd.s32 $0x80, s2;
	[tilespmem:s0+$0x810] =	vst v8;
	v5 =	vld.idx.msk [tilespmem:v30+s29+$0x0], $0xffff  }
0x262: {  	[tilespmem:s0+$0x820] =	vst v0  }
0x263: {  	[tilespmem:s0+$0x830] =	vst v1  }
0x264: {  	[tilespmem:s0+$0x840] =	vst v4  }
0x265: {  	s2 =	sadd.s32 s6, s19;
	[tilespmem:s0+$0x800] =	vst v2  }
0x266: {  	s2 =	sshrl.u32 s2, $0x3;
	[tilespmem:s0+$0x850] =	vst v3  }
0x267: {  	s2 =	sadd.s32 s5, s2;
	[tilespmem:s0+$0x860] =	vst v5;
	s0 =	sadd.s32 @!p0 s6, s20  }
0x268: {  	[hbm4b:s2+s4] =	stream.linear.scatter [tilespmem:s8], [sflag:$0x6], $0x2000, $0x38;
	[tilespmem:$0x10800] =	vst v63  }
0x269: {  	s0 =	sshrl.u32 @!p0 s0, $0x3  }
0x26a: {  	s25 =	simm.s32 @!p0 $0x2800;
	s2 =	simm.s32 @!p0 $0x0;
	s0 =	sadd.s32 @!p0 s1, s0  }
0x26b: {  	[tilespmem:s25], [sflag:$0x2] =	stream.linear.gather @!p0 [hbm4b:s0+s2], $0x2000, $0x38;
	[tilespmem:$0x10800] =	vst v63  }
0x26c: {  	_ =	swait.ge [sflag:s9], $0x2000  }
0x26d: {  	[sflag:s9] =	ssyncset.done $0x0  }
0x26e: {  	[sflag:s9] =	ssyncadd.s32 $0xFFFFE000  }
0x26f: {  	_ =	swait.ge [sflag:s15], $0x2000  }
0x270: {  	[sflag:s15] =	ssyncset.done $0x0  }
0x271: {  	s25 =	simm.s32 $0x40;
	[sflag:s15] =	ssyncadd.s32 $0xFFFFE000  }
0x272: {  	v0 =	vld [tilespmem:s25+$0x30]  }
0x273: {  	v1 =	vld [tilespmem:s25+$0xFFFFFFD0]  }
0x274: {  	v2 =	vld [tilespmem:s25+$0xFFFFFFE0]  }
0x275: {  	v3 =	vld [tilespmem:s25+$0xFFFFFFF0]  }
0x276: {  	v4 =	vld [tilespmem:s25+$0x0]  }
0x277: {  	v5 =	vld [tilespmem:s25+$0x10]  }
0x278: {  	v6 =	vld [tilespmem:s25+$0x20]  }
0x279: {  	v7 =	vld [tilespmem:s25+$0xFFFFFFC0]  }
0x27a: {  	v8 =	vld.idx.msk [tilespmem:v0+s30+$0x0], $0xffff  }
0x27b: {  	v9 =	vld.idx.msk [tilespmem:v1+s30+$0x0], $0xffff  }
0x27c: {  	v10 =	vld.idx.msk [tilespmem:v2+s30+$0x0], $0xffff  }
0x27d: {  	v11 =	vadd.s32 $0x800, v0;
	v12 =	vld.idx.msk [tilespmem:v3+s30+$0x0], $0xffff  }
0x27e: {  	v13 =	vadd.s32 $0x800, v1;
	v14 =	vld.idx.msk [tilespmem:v4+s30+$0x0], $0xffff  }
0x27f: {  	s0 =	simm.s32 $0xD800;
	v15 =	vadd.s32 $0x800, v2;
	v16 =	vld.idx.msk [tilespmem:v5+s30+$0x0], $0xffff  }
0x280: {  	v17 =	vadd.s32 $0x800, v3;
	v18 =	vld.idx.msk [tilespmem:v6+s30+$0x0], $0xffff;
	[tilespmem:s0+$0xFFFFF070] =	vst v8  }
0x281: {  	v44 =	vadd.s32 $0x800, v4;
	v19 =	vld.idx.msk [tilespmem:v7+s30+$0x0], $0xffff;
	[tilespmem:s0+$0xFFFFF010] =	vst v9  }
0x282: {  	v46 =	vadd.s32 $0x800, v5;
	[tilespmem:s0+$0xFFFFF020] =	vst v10;
	v45 =	vld.idx.msk [tilespmem:v11+s30+$0x0], $0xffff  }
0x283: {  	v49 =	vadd.s32 $0x800, v7;
	[tilespmem:s0+$0xFFFFF030] =	vst v12;
	v47 =	vld.idx.msk [tilespmem:v13+s30+$0x0], $0xffff  }
0x284: {  	v50 =	vadd.s32 $0x800, v6;
	[tilespmem:s0+$0xFFFFF040] =	vst v14;
	v15 =	vld.idx.msk [tilespmem:v15+s30+$0x0], $0xffff  }
0x285: {  	v48 =	vadd.s32 $0x1000, v0;
	[tilespmem:s0+$0xFFFFF050] =	vst v16;
	v17 =	vld.idx.msk [tilespmem:v17+s30+$0x0], $0xffff  }
0x286: {  	v51 =	vadd.s32 $0x1000, v1;
	[tilespmem:s0+$0xFFFFF060] =	vst v18;
	v8 =	vld.idx.msk [tilespmem:v44+s30+$0x0], $0xffff  }
0x287: {  	v52 =	vadd.s32 $0x1000, v2;
	[tilespmem:s0+$0xFFFFF000] =	vst v19;
	v11 =	vld.idx.msk [tilespmem:v46+s30+$0x0], $0xffff  }
0x288: {  	v53 =	vadd.s32 $0x1000, v3;
	v13 =	vld.idx.msk [tilespmem:v49+s30+$0x0], $0xffff;
	[tilespmem:s0+$0xFFFFF870] =	vst v45  }
0x289: {  	v54 =	vadd.s32 $0x1000, v4;
	v55 =	vld.idx.msk [tilespmem:v50+s30+$0x0], $0xffff;
	[tilespmem:s0+$0xFFFFF810] =	vst v47  }
0x28a: {  	v56 =	vadd.s32 $0x1000, v7;
	[tilespmem:s0+$0xFFFFF820] =	vst v15;
	v12 =	vld.idx.msk [tilespmem:v48+s30+$0x0], $0xffff  }
0x28b: {  	v58 =	vadd.s32 $0x1000, v5;
	[tilespmem:s0+$0xFFFFF830] =	vst v17;
	v57 =	vld.idx.msk [tilespmem:v51+s30+$0x0], $0xffff  }
0x28c: {  	v60 =	vadd.s32 $0x1000, v6;
	[tilespmem:s0+$0xFFFFF840] =	vst v8;
	v59 =	vld.idx.msk [tilespmem:v52+s30+$0x0], $0xffff  }
0x28d: {  	v0 =	vadd.s32 $0x1800, v0;
	[tilespmem:s0+$0xFFFFF850] =	vst v11;
	v9 =	vld.idx.msk [tilespmem:v53+s30+$0x0], $0xffff  }
0x28e: {  	v1 =	vadd.s32 $0x1800, v1;
	[tilespmem:s0+$0xFFFFF800] =	vst v13;
	v61 =	vld.idx.msk [tilespmem:v54+s30+$0x0], $0xffff  }
0x28f: {  	v2 =	vadd.s32 $0x1800, v2;
	[tilespmem:s0+$0xFFFFF860] =	vst v55;
	v13 =	vld.idx.msk [tilespmem:v56+s30+$0x0], $0xffff  }
0x290: {  	v3 =	vadd.s32 $0x1800, v3;
	v62 =	vld.idx.msk [tilespmem:v58+s30+$0x0], $0xffff;
	[tilespmem:s0+$0x70] =	vst v12  }
0x291: {  	v4 =	vadd.s32 $0x1800, v4;
	v8 =	vld.idx.msk [tilespmem:v60+s30+$0x0], $0xffff;
	[tilespmem:s0+$0x10] =	vst v57  }
0x292: {  	v7 =	vadd.s32 $0x1800, v7;
	[tilespmem:s0+$0x20] =	vst v59;
	v12 =	vld.idx.msk [tilespmem:v0+s30+$0x0], $0xffff  }
0x293: {  	v5 =	vadd.s32 $0x1800, v5;
	[tilespmem:s0+$0x30] =	vst v9;
	v63 =	vld.idx.msk [tilespmem:v1+s30+$0x0], $0xffff  }
0x294: {  	v6 =	vadd.s32 $0x1800, v6;
	[tilespmem:s0+$0x40] =	vst v61;
	v0 =	vld.idx.msk [tilespmem:v2+s30+$0x0], $0xffff  }
0x295: {  	[tilespmem:s0+$0x0] =	vst v13;
	v1 =	vld.idx.msk [tilespmem:v3+s30+$0x0], $0xffff  }
0x296: {  	[tilespmem:s0+$0x50] =	vst v62;
	v4 =	vld.idx.msk [tilespmem:v4+s30+$0x0], $0xffff  }
0x297: {  	[tilespmem:s0+$0x60] =	vst v8;
	v2 =	vld.idx.msk [tilespmem:v7+s30+$0x0], $0xffff  }
0x298: {  	v3 =	vld.idx.msk [tilespmem:v5+s30+$0x0], $0xffff;
	[tilespmem:s0+$0x870] =	vst v12  }
0x299: {  	s2 =	simm.s32 $0xC0;
	s25 =	simm.s32 $0x0;
	v5 =	vld.idx.msk [tilespmem:v6+s30+$0x0], $0xffff;
	[tilespmem:s0+$0x810] =	vst v63  }
.LBB2_15:
0x29a: {  	v6 =	vld [tilespmem:s2+$0x30];
	s25 =	sadd.s32 $0x80, s25;
	[tilespmem:s0+$0x820] =	vst v0  }
0x29b: {  	v0 =	vld [tilespmem:s2+$0xFFFFFFD0];
	p1 =	slt.u32 s25, $0x780;
	[tilespmem:s0+$0x830] =	vst v1  }
0x29c: {  	v1 =	vld [tilespmem:s2+$0xFFFFFFE0];
	[tilespmem:s0+$0x840] =	vst v4  }
0x29d: {  	v4 =	vld [tilespmem:s2+$0xFFFFFFF0];
	[tilespmem:s0+$0x800] =	vst v2  }
0x29e: {  	v2 =	vld [tilespmem:s2+$0x0];
	[tilespmem:s0+$0x850] =	vst v3  }
0x29f: {  	v3 =	vld [tilespmem:s2+$0x10];
	[tilespmem:s0+$0x860] =	vst v5  }
0x2a0: {  	v5 =	vadd.s32 $0x800, v0;
	v7 =	vadd.s32 $0x1000, v0;
	v8 =	vadd.s32 $0x1800, v0;
	v9 =	vld [tilespmem:s2+$0x20]  }
0x2a1: {  	v10 =	vld [tilespmem:s2+$0xFFFFFFC0];
	v11 =	vadd.s32 $0x800, v1;
	v12 =	vadd.s32 $0x1000, v1;
	v13 =	vadd.s32 $0x1800, v1  }
0x2a2: {  	v14 =	vadd.s32 $0x800, v4;
	v15 =	vadd.s32 $0x1000, v4;
	v16 =	vadd.s32 $0x1800, v4;
	v17 =	vld.idx.msk [tilespmem:v6+s30+$0x0], $0xffff  }
0x2a3: {  	v0 =	vld.idx.msk [tilespmem:v0+s30+$0x0], $0xffff;
	v18 =	vadd.s32 $0x800, v2;
	v19 =	vadd.s32 $0x1000, v2;
	v20 =	vadd.s32 $0x1800, v2  }
0x2a4: {  	v23 =	vadd.s32 $0x800, v6;
	v1 =	vld.idx.msk [tilespmem:v1+s30+$0x0], $0xffff;
	v21 =	vadd.s32 $0x800, v3;
	v22 =	vadd.s32 $0x1000, v3  }
0x2a5: {  	v24 =	vadd.s32 $0x1800, v3;
	v4 =	vld.idx.msk [tilespmem:v4+s30+$0x0], $0xffff;
	v25 =	vadd.s32 $0x800, v9;
	v26 =	vadd.s32 $0x1000, v9  }
0x2a6: {  	v27 =	vadd.s32 $0x800, v10;
	v28 =	vadd.s32 $0x1000, v10;
	v29 =	vadd.s32 $0x1800, v10;
	v2 =	vld.idx.msk [tilespmem:v2+s30+$0x0], $0xffff  }
0x2a7: {  	s0 =	sadd.s32 $0x80, s0;
	v30 =	vadd.s32 $0x1800, v9;
	v3 =	vld.idx.msk [tilespmem:v3+s30+$0x0], $0xffff  }
0x2a8: {  	v9 =	vld.idx.msk [tilespmem:v9+s30+$0x0], $0xffff;
	[tilespmem:s0+$0xFFFFF070] =	vst v17  }
0x2a9: {  	[tilespmem:s0+$0xFFFFF010] =	vst v0;
	v0 =	vld.idx.msk [tilespmem:v23+s30+$0x0], $0xffff  }
0x2aa: {  	v10 =	vld.idx.msk [tilespmem:v10+s30+$0x0], $0xffff;
	[tilespmem:s0+$0xFFFFF020] =	vst v1  }
0x2ab: {  	v1 =	vld.idx.msk [tilespmem:v5+s30+$0x0], $0xffff;
	[tilespmem:s0+$0xFFFFF030] =	vst v4;
	v4 =	vadd.s32 $0x1000, v6  }
0x2ac: {  	v5 =	vld.idx.msk [tilespmem:v11+s30+$0x0], $0xffff;
	[tilespmem:s0+$0xFFFFF040] =	vst v2  }
0x2ad: {  	v2 =	vld.idx.msk [tilespmem:v14+s30+$0x0], $0xffff;
	[tilespmem:s0+$0xFFFFF050] =	vst v3  }
0x2ae: {  	v3 =	vld.idx.msk [tilespmem:v18+s30+$0x0], $0xffff;
	[tilespmem:s0+$0xFFFFF060] =	vst v9  }
0x2af: {  	v9 =	vld.idx.msk [tilespmem:v21+s30+$0x0], $0xffff;
	[tilespmem:s0+$0xFFFFF870] =	vst v0  }
0x2b0: {  	[tilespmem:s0+$0xFFFFF000] =	vst v10;
	v0 =	vld.idx.msk [tilespmem:v4+s30+$0x0], $0xffff  }
0x2b1: {  	v4 =	vld.idx.msk [tilespmem:v27+s30+$0x0], $0xffff;
	[tilespmem:s0+$0xFFFFF810] =	vst v1  }
0x2b2: {  	[tilespmem:s0+$0xFFFFF820] =	vst v5;
	v1 =	vld.idx.msk [tilespmem:v25+s30+$0x0], $0xffff;
	v5 =	vadd.s32 $0x1800, v6  }
0x2b3: {  	v6 =	vld.idx.msk [tilespmem:v7+s30+$0x0], $0xffff;
	[tilespmem:s0+$0xFFFFF830] =	vst v2  }
0x2b4: {  	v2 =	vld.idx.msk [tilespmem:v12+s30+$0x0], $0xffff;
	[tilespmem:s0+$0xFFFFF840] =	vst v3  }
0x2b5: {  	v3 =	vld.idx.msk [tilespmem:v15+s30+$0x0], $0xffff;
	[tilespmem:s0+$0xFFFFF850] =	vst v9  }
0x2b6: {  	v7 =	vld.idx.msk [tilespmem:v19+s30+$0x0], $0xffff;
	[tilespmem:s0+$0x70] =	vst v0  }
0x2b7: {  	[tilespmem:s0+$0xFFFFF800] =	vst v4;
	v4 =	vld.idx.msk [tilespmem:v5+s30+$0x0], $0xffff  }
0x2b8: {  	v5 =	vld.idx.msk [tilespmem:v28+s30+$0x0], $0xffff;
	[tilespmem:s0+$0xFFFFF860] =	vst v1  }
0x2b9: {  	[tilespmem:s0+$0x10] =	vst v6;
	v6 =	vld.idx.msk [tilespmem:v22+s30+$0x0], $0xffff  }
0x2ba: {  	[tilespmem:s0+$0x20] =	vst v2;
	v9 =	vld.idx.msk [tilespmem:v26+s30+$0x0], $0xffff  }
0x2bb: {  	v8 =	vld.idx.msk [tilespmem:v8+s30+$0x0], $0xffff;
	[tilespmem:s0+$0x30] =	vst v3  }
0x2bc: {  	v0 =	vld.idx.msk [tilespmem:v13+s30+$0x0], $0xffff;
	[tilespmem:s0+$0x40] =	vst v7  }
.Ltmp8:
0x2bd: {  	v1 =	vld.idx.msk [tilespmem:v16+s30+$0x0], $0xffff;
	[tilespmem:s0+$0x870] =	vst v4;
	(pc) =	sbr.rel @p1 .LBB2_15-.Ltmp8, $4  }
0x2be: {  	[tilespmem:s0+$0x0] =	vst v5;
	v4 =	vld.idx.msk [tilespmem:v20+s30+$0x0], $0xffff  }
0x2bf: {  	v2 =	vld.idx.msk [tilespmem:v29+s30+$0x0], $0xffff;
	[tilespmem:s0+$0x50] =	vst v6  }
0x2c0: {  	v3 =	vld.idx.msk [tilespmem:v24+s30+$0x0], $0xffff;
	[tilespmem:s0+$0x60] =	vst v9  }
0x2c1: {  	s2 =	sadd.s32 $0x80, s2;
	[tilespmem:s0+$0x810] =	vst v8;
	v5 =	vld.idx.msk [tilespmem:v30+s30+$0x0], $0xffff  }
0x2c2: {  	[tilespmem:s0+$0x820] =	vst v0  }
0x2c3: {  	[tilespmem:s0+$0x830] =	vst v1  }
0x2c4: {  	[tilespmem:s0+$0x840] =	vst v4  }
0x2c5: {  	s2 =	sadd.s32 s6, s21;
	[tilespmem:s0+$0x800] =	vst v2  }
0x2c6: {  	s2 =	sshrl.u32 s2, $0x3;
	[tilespmem:s0+$0x850] =	vst v3  }
0x2c7: {  	s2 =	sadd.s32 s5, s2;
	[tilespmem:s0+$0x860] =	vst v5;
	s0 =	sadd.s32 @!p0 s6, s22  }
0x2c8: {  	[hbm4b:s2+s4] =	stream.linear.scatter [tilespmem:s10], [sflag:$0x7], $0x2000, $0x38;
	[tilespmem:$0x10800] =	vst v63  }
0x2c9: {  	s0 =	sshrl.u32 @!p0 s0, $0x3  }
0x2ca: {  	s25 =	simm.s32 @!p0 $0x4800;
	s2 =	simm.s32 @!p0 $0x0;
	s0 =	sadd.s32 @!p0 s1, s0  }
0x2cb: {  	[tilespmem:s25], [sflag:$0x3] =	stream.linear.gather @!p0 [hbm4b:s0+s2], $0x2000, $0x38;
	[tilespmem:$0x10800] =	vst v63  }
0x2cc: {  	_ =	swait.ge [sflag:s11], $0x2000  }
0x2cd: {  	[sflag:s11] =	ssyncset.done $0x0  }
0x2ce: {  	[sflag:s11] =	ssyncadd.s32 $0xFFFFE000  }
0x2cf: {  	_ =	swait.ge [sflag:s16], $0x2000  }
0x2d0: {  	[sflag:s16] =	ssyncset.done $0x0  }
0x2d1: {  	s25 =	simm.s32 $0x40;
	[sflag:s16] =	ssyncadd.s32 $0xFFFFE000  }
0x2d2: {  	v0 =	vld [tilespmem:s25+$0x30]  }
0x2d3: {  	v1 =	vld [tilespmem:s25+$0xFFFFFFD0]  }
0x2d4: {  	v2 =	vld [tilespmem:s25+$0xFFFFFFE0]  }
0x2d5: {  	v3 =	vld [tilespmem:s25+$0xFFFFFFF0]  }
0x2d6: {  	v4 =	vld [tilespmem:s25+$0x0]  }
0x2d7: {  	v5 =	vld [tilespmem:s25+$0x10]  }
0x2d8: {  	v6 =	vld [tilespmem:s25+$0x20]  }
0x2d9: {  	v7 =	vld [tilespmem:s25+$0xFFFFFFC0]  }
0x2da: {  	v8 =	vld.idx.msk [tilespmem:v0+s31+$0x0], $0xffff  }
0x2db: {  	v9 =	vld.idx.msk [tilespmem:v1+s31+$0x0], $0xffff  }
0x2dc: {  	v10 =	vld.idx.msk [tilespmem:v2+s31+$0x0], $0xffff  }
0x2dd: {  	v11 =	vadd.s32 $0x800, v0;
	v12 =	vld.idx.msk [tilespmem:v3+s31+$0x0], $0xffff  }
0x2de: {  	v13 =	vadd.s32 $0x800, v1;
	v14 =	vld.idx.msk [tilespmem:v4+s31+$0x0], $0xffff  }
0x2df: {  	s0 =	simm.s32 $0xF800;
	v15 =	vadd.s32 $0x800, v2;
	v16 =	vld.idx.msk [tilespmem:v5+s31+$0x0], $0xffff  }
0x2e0: {  	v17 =	vadd.s32 $0x800, v3;
	v18 =	vld.idx.msk [tilespmem:v6+s31+$0x0], $0xffff;
	[tilespmem:s0+$0xFFFFF070] =	vst v8  }
0x2e1: {  	v44 =	vadd.s32 $0x800, v4;
	v19 =	vld.idx.msk [tilespmem:v7+s31+$0x0], $0xffff;
	[tilespmem:s0+$0xFFFFF010] =	vst v9  }
0x2e2: {  	v46 =	vadd.s32 $0x800, v5;
	[tilespmem:s0+$0xFFFFF020] =	vst v10;
	v45 =	vld.idx.msk [tilespmem:v11+s31+$0x0], $0xffff  }
0x2e3: {  	v49 =	vadd.s32 $0x800, v7;
	[tilespmem:s0+$0xFFFFF030] =	vst v12;
	v47 =	vld.idx.msk [tilespmem:v13+s31+$0x0], $0xffff  }
0x2e4: {  	v50 =	vadd.s32 $0x800, v6;
	[tilespmem:s0+$0xFFFFF040] =	vst v14;
	v15 =	vld.idx.msk [tilespmem:v15+s31+$0x0], $0xffff  }
0x2e5: {  	v48 =	vadd.s32 $0x1000, v0;
	[tilespmem:s0+$0xFFFFF050] =	vst v16;
	v17 =	vld.idx.msk [tilespmem:v17+s31+$0x0], $0xffff  }
0x2e6: {  	v51 =	vadd.s32 $0x1000, v1;
	[tilespmem:s0+$0xFFFFF060] =	vst v18;
	v8 =	vld.idx.msk [tilespmem:v44+s31+$0x0], $0xffff  }
0x2e7: {  	v52 =	vadd.s32 $0x1000, v2;
	[tilespmem:s0+$0xFFFFF000] =	vst v19;
	v11 =	vld.idx.msk [tilespmem:v46+s31+$0x0], $0xffff  }
0x2e8: {  	v53 =	vadd.s32 $0x1000, v3;
	v13 =	vld.idx.msk [tilespmem:v49+s31+$0x0], $0xffff;
	[tilespmem:s0+$0xFFFFF870] =	vst v45  }
0x2e9: {  	v54 =	vadd.s32 $0x1000, v4;
	v55 =	vld.idx.msk [tilespmem:v50+s31+$0x0], $0xffff;
	[tilespmem:s0+$0xFFFFF810] =	vst v47  }
0x2ea: {  	v56 =	vadd.s32 $0x1000, v7;
	[tilespmem:s0+$0xFFFFF820] =	vst v15;
	v12 =	vld.idx.msk [tilespmem:v48+s31+$0x0], $0xffff  }
0x2eb: {  	v58 =	vadd.s32 $0x1000, v5;
	[tilespmem:s0+$0xFFFFF830] =	vst v17;
	v57 =	vld.idx.msk [tilespmem:v51+s31+$0x0], $0xffff  }
0x2ec: {  	v60 =	vadd.s32 $0x1000, v6;
	[tilespmem:s0+$0xFFFFF840] =	vst v8;
	v59 =	vld.idx.msk [tilespmem:v52+s31+$0x0], $0xffff  }
0x2ed: {  	v0 =	vadd.s32 $0x1800, v0;
	[tilespmem:s0+$0xFFFFF850] =	vst v11;
	v9 =	vld.idx.msk [tilespmem:v53+s31+$0x0], $0xffff  }
0x2ee: {  	v1 =	vadd.s32 $0x1800, v1;
	[tilespmem:s0+$0xFFFFF800] =	vst v13;
	v61 =	vld.idx.msk [tilespmem:v54+s31+$0x0], $0xffff  }
0x2ef: {  	v2 =	vadd.s32 $0x1800, v2;
	[tilespmem:s0+$0xFFFFF860] =	vst v55;
	v13 =	vld.idx.msk [tilespmem:v56+s31+$0x0], $0xffff  }
0x2f0: {  	v3 =	vadd.s32 $0x1800, v3;
	v62 =	vld.idx.msk [tilespmem:v58+s31+$0x0], $0xffff;
	[tilespmem:s0+$0x70] =	vst v12  }
0x2f1: {  	v4 =	vadd.s32 $0x1800, v4;
	v8 =	vld.idx.msk [tilespmem:v60+s31+$0x0], $0xffff;
	[tilespmem:s0+$0x10] =	vst v57  }
0x2f2: {  	v7 =	vadd.s32 $0x1800, v7;
	[tilespmem:s0+$0x20] =	vst v59;
	v12 =	vld.idx.msk [tilespmem:v0+s31+$0x0], $0xffff  }
0x2f3: {  	v5 =	vadd.s32 $0x1800, v5;
	[tilespmem:s0+$0x30] =	vst v9;
	v63 =	vld.idx.msk [tilespmem:v1+s31+$0x0], $0xffff  }
0x2f4: {  	v6 =	vadd.s32 $0x1800, v6;
	[tilespmem:s0+$0x40] =	vst v61;
	v0 =	vld.idx.msk [tilespmem:v2+s31+$0x0], $0xffff  }
0x2f5: {  	[tilespmem:s0+$0x0] =	vst v13;
	v1 =	vld.idx.msk [tilespmem:v3+s31+$0x0], $0xffff  }
0x2f6: {  	[tilespmem:s0+$0x50] =	vst v62;
	v4 =	vld.idx.msk [tilespmem:v4+s31+$0x0], $0xffff  }
0x2f7: {  	[tilespmem:s0+$0x60] =	vst v8;
	v2 =	vld.idx.msk [tilespmem:v7+s31+$0x0], $0xffff  }
0x2f8: {  	v3 =	vld.idx.msk [tilespmem:v5+s31+$0x0], $0xffff;
	[tilespmem:s0+$0x870] =	vst v12  }
0x2f9: {  	s2 =	simm.s32 $0xC0;
	s25 =	simm.s32 $0x0;
	v5 =	vld.idx.msk [tilespmem:v6+s31+$0x0], $0xffff;
	[tilespmem:s0+$0x810] =	vst v63  }
.LBB2_17:
0x2fa: {  	v6 =	vld [tilespmem:s2+$0x30];
	s25 =	sadd.s32 $0x80, s25;
	[tilespmem:s0+$0x820] =	vst v0  }
0x2fb: {  	v0 =	vld [tilespmem:s2+$0xFFFFFFD0];
	p1 =	slt.u32 s25, $0x780;
	[tilespmem:s0+$0x830] =	vst v1  }
0x2fc: {  	v1 =	vld [tilespmem:s2+$0xFFFFFFE0];
	[tilespmem:s0+$0x840] =	vst v4  }
0x2fd: {  	v4 =	vld [tilespmem:s2+$0xFFFFFFF0];
	[tilespmem:s0+$0x800] =	vst v2  }
0x2fe: {  	v2 =	vld [tilespmem:s2+$0x0];
	[tilespmem:s0+$0x850] =	vst v3  }
0x2ff: {  	v3 =	vld [tilespmem:s2+$0x10];
	[tilespmem:s0+$0x860] =	vst v5  }
0x300: {  	v5 =	vadd.s32 $0x800, v0;
	v7 =	vadd.s32 $0x1000, v0;
	v8 =	vadd.s32 $0x1800, v0;
	v9 =	vld [tilespmem:s2+$0x20]  }
0x301: {  	v10 =	vld [tilespmem:s2+$0xFFFFFFC0];
	v11 =	vadd.s32 $0x800, v1;
	v12 =	vadd.s32 $0x1000, v1;
	v13 =	vadd.s32 $0x1800, v1  }
0x302: {  	v14 =	vadd.s32 $0x800, v4;
	v15 =	vadd.s32 $0x1000, v4;
	v16 =	vadd.s32 $0x1800, v4;
	v17 =	vld.idx.msk [tilespmem:v6+s31+$0x0], $0xffff  }
0x303: {  	v0 =	vld.idx.msk [tilespmem:v0+s31+$0x0], $0xffff;
	v18 =	vadd.s32 $0x800, v2;
	v19 =	vadd.s32 $0x1000, v2;
	v20 =	vadd.s32 $0x1800, v2  }
0x304: {  	v23 =	vadd.s32 $0x800, v6;
	v1 =	vld.idx.msk [tilespmem:v1+s31+$0x0], $0xffff;
	v21 =	vadd.s32 $0x800, v3;
	v22 =	vadd.s32 $0x1000, v3  }
0x305: {  	v24 =	vadd.s32 $0x1800, v3;
	v4 =	vld.idx.msk [tilespmem:v4+s31+$0x0], $0xffff;
	v25 =	vadd.s32 $0x800, v9;
	v26 =	vadd.s32 $0x1000, v9  }
0x306: {  	v27 =	vadd.s32 $0x800, v10;
	v28 =	vadd.s32 $0x1000, v10;
	v29 =	vadd.s32 $0x1800, v10;
	v2 =	vld.idx.msk [tilespmem:v2+s31+$0x0], $0xffff  }
0x307: {  	s0 =	sadd.s32 $0x80, s0;
	v30 =	vadd.s32 $0x1800, v9;
	v3 =	vld.idx.msk [tilespmem:v3+s31+$0x0], $0xffff  }
0x308: {  	v9 =	vld.idx.msk [tilespmem:v9+s31+$0x0], $0xffff;
	[tilespmem:s0+$0xFFFFF070] =	vst v17  }
0x309: {  	[tilespmem:s0+$0xFFFFF010] =	vst v0;
	v0 =	vld.idx.msk [tilespmem:v23+s31+$0x0], $0xffff  }
0x30a: {  	v10 =	vld.idx.msk [tilespmem:v10+s31+$0x0], $0xffff;
	[tilespmem:s0+$0xFFFFF020] =	vst v1  }
0x30b: {  	v1 =	vld.idx.msk [tilespmem:v5+s31+$0x0], $0xffff;
	[tilespmem:s0+$0xFFFFF030] =	vst v4;
	v4 =	vadd.s32 $0x1000, v6  }
0x30c: {  	v5 =	vld.idx.msk [tilespmem:v11+s31+$0x0], $0xffff;
	[tilespmem:s0+$0xFFFFF040] =	vst v2  }
0x30d: {  	v2 =	vld.idx.msk [tilespmem:v14+s31+$0x0], $0xffff;
	[tilespmem:s0+$0xFFFFF050] =	vst v3  }
0x30e: {  	v3 =	vld.idx.msk [tilespmem:v18+s31+$0x0], $0xffff;
	[tilespmem:s0+$0xFFFFF060] =	vst v9  }
0x30f: {  	v9 =	vld.idx.msk [tilespmem:v21+s31+$0x0], $0xffff;
	[tilespmem:s0+$0xFFFFF870] =	vst v0  }
0x310: {  	[tilespmem:s0+$0xFFFFF000] =	vst v10;
	v0 =	vld.idx.msk [tilespmem:v4+s31+$0x0], $0xffff  }
0x311: {  	v4 =	vld.idx.msk [tilespmem:v27+s31+$0x0], $0xffff;
	[tilespmem:s0+$0xFFFFF810] =	vst v1  }
0x312: {  	[tilespmem:s0+$0xFFFFF820] =	vst v5;
	v1 =	vld.idx.msk [tilespmem:v25+s31+$0x0], $0xffff;
	v5 =	vadd.s32 $0x1800, v6  }
0x313: {  	v6 =	vld.idx.msk [tilespmem:v7+s31+$0x0], $0xffff;
	[tilespmem:s0+$0xFFFFF830] =	vst v2  }
0x314: {  	v2 =	vld.idx.msk [tilespmem:v12+s31+$0x0], $0xffff;
	[tilespmem:s0+$0xFFFFF840] =	vst v3  }
0x315: {  	v3 =	vld.idx.msk [tilespmem:v15+s31+$0x0], $0xffff;
	[tilespmem:s0+$0xFFFFF850] =	vst v9  }
0x316: {  	v7 =	vld.idx.msk [tilespmem:v19+s31+$0x0], $0xffff;
	[tilespmem:s0+$0x70] =	vst v0  }
0x317: {  	[tilespmem:s0+$0xFFFFF800] =	vst v4;
	v4 =	vld.idx.msk [tilespmem:v5+s31+$0x0], $0xffff  }
0x318: {  	v5 =	vld.idx.msk [tilespmem:v28+s31+$0x0], $0xffff;
	[tilespmem:s0+$0xFFFFF860] =	vst v1  }
0x319: {  	[tilespmem:s0+$0x10] =	vst v6;
	v6 =	vld.idx.msk [tilespmem:v22+s31+$0x0], $0xffff  }
0x31a: {  	[tilespmem:s0+$0x20] =	vst v2;
	v9 =	vld.idx.msk [tilespmem:v26+s31+$0x0], $0xffff  }
0x31b: {  	v8 =	vld.idx.msk [tilespmem:v8+s31+$0x0], $0xffff;
	[tilespmem:s0+$0x30] =	vst v3  }
0x31c: {  	v0 =	vld.idx.msk [tilespmem:v13+s31+$0x0], $0xffff;
	[tilespmem:s0+$0x40] =	vst v7  }
.Ltmp9:
0x31d: {  	v1 =	vld.idx.msk [tilespmem:v16+s31+$0x0], $0xffff;
	[tilespmem:s0+$0x870] =	vst v4;
	(pc) =	sbr.rel @p1 .LBB2_17-.Ltmp9, $4  }
0x31e: {  	[tilespmem:s0+$0x0] =	vst v5;
	v4 =	vld.idx.msk [tilespmem:v20+s31+$0x0], $0xffff  }
0x31f: {  	v2 =	vld.idx.msk [tilespmem:v29+s31+$0x0], $0xffff;
	[tilespmem:s0+$0x50] =	vst v6  }
0x320: {  	v3 =	vld.idx.msk [tilespmem:v24+s31+$0x0], $0xffff;
	[tilespmem:s0+$0x60] =	vst v9  }
0x321: {  	s2 =	sadd.s32 $0x80, s2;
	[tilespmem:s0+$0x810] =	vst v8;
	v5 =	vld.idx.msk [tilespmem:v30+s31+$0x0], $0xffff  }
0x322: {  	[tilespmem:s0+$0x820] =	vst v0  }
0x323: {  	[tilespmem:s0+$0x830] =	vst v1  }
.Ltmp10:
0x324: {  	[tilespmem:s0+$0x840] =	vst v4;
	(pc) =	sbr.rel @p0 .LBB2_20-.Ltmp10, $4  }
0x325: {  	s2 =	sadd.s32 s6, s23;
	[tilespmem:s0+$0x800] =	vst v2  }
0x326: {  	s2 =	sshrl.u32 s2, $0x3;
	[tilespmem:s0+$0x850] =	vst v3  }
0x327: {  	s25 =	sadd.s32 s5, s2;
	[tilespmem:s0+$0x860] =	vst v5  }
0x328: {  	[hbm4b:s25+s4] =	stream.linear.scatter [tilespmem:s12], [sflag:$0x8], $0x2000, $0x38;
	[tilespmem:$0x10800] =	vst v63  }
.Ltmp11:
0x329: {  	(pc) =	sbr.rel .LBB2_10-.Ltmp11, $4  }
0x32a: {  	s0 =	sadd.s32 s6, s24  }
0x32b: {  	s0 =	sshrl.u32 s0, $0x3  }
0x32c: {  	s26 =	sadd.s32 $0x1, s26;
	s0 =	sadd.s32 s1, s0  }
0x32d: {  	[tilespmem:s31], [sflag:$0x4] =	stream.linear.gather [hbm4b:s0+s4], $0x2000, $0x38;
	[tilespmem:$0x10800] =	vst v63  }
.LBB2_21:
0x32e: {  	_ =	sfence.sel $0x180000  }
0x32f: {  	[bflag:$0x0] =	sbarrier.arrive $0xFFFF  }
0x330: {  	_ =	strace $0x9000004A  }
0x331: {  	s0 =	stileid.u32;
	[bflag:$0x2] =	sbarrier.arrive $0xFFFF  }
0x332: {  	p0 =	sne.s32 s0, $0x0;
	s0 =	rddreg [dreg:$0x3]  }
0x333: {  	s0 =	sadd.s32 @!p0 $0x100000, s0  }
0x334: {  	[sflag:s0] =	ssyncadd.tile.s32 @!p0 $0x1;
	_ =	shalt  }
.Lfunc_end2:
_tile_overlayer_lowered:
.L_overlay_start_2:
0x335: {  	(tag) =	ssettag $0x2  }
0x336: {  	s0 =	rddreg [dreg:$0x0];
	s2 =	stileid.u32  }
0x337: {  	s1 =	rddreg [dreg:$0x1];
	p0 =	sne.s32 s2, $0x0  }
0x338: {  	s3 =	rddreg [dreg:$0x2];
	[bflag:$0x3] =	sbarrier.arrive $0xFFFF;
	s2 =	simm.s32 @!p0 $0x1C09  }
0x339: {  	[timem:s3], [sflag:s2] =	dma.local @!p0 [hbm:s0], s1  }
0x33a: {  	s0 =	simm.s32 @!p0 $0x9  }
0x33b: {  	_ =	swait.ge @!p0 [sflag:s0], s1  }
0x33c: {  	s1 =	ssub.s32 @!p0 $0x0, s1;
	[sflag:s0] =	ssyncset.done @!p0 $0x0  }
0x33d: {  	[sflag:s0] =	ssyncadd.s32 @!p0 s1  }
0x33e: {  	[bflag:$0x3] =	sbarrier.arrive $0xFFFF  }
0x33f: {  	_ =	shalt  }

// kernel: sparse-core-data-format-call.cloned.1.call-start
scs
called_computation_lowered:
.L_overlay_start_0:
0x0: {  	s2 =	sld [smem:$0x3FD9]  }
0x1: {  	s3 =	sld [smem:$0x3FFE];
	_ =	sdelay $0x1  }
0x2: {  	s1 =	srdreg.scid  }
0x3: {  	s0 =	sand.u32 $0x1, s1  }
0x4: {  	s19 =	sshll.u32 s0, $0xA;
	s2 =	sadd.s32 s3, s2  }
0x5: {  	s2 =	sadd.s32 s2, s19  }
0x6: {  	[smem:$0x3FC6] =	sst s2  }
0x7: {  	_ = 	snop  }
0x8: {  	s2 =	sld [smem:$0x3FC9]  }
0x9: {  	s20 =	sld [smem:$0x3FD0];
	(tm) =	ssettm $0x1  }
0xa: {  	s4 =	sld [smem:$0x3FFB];
	_ =	sdelay $0x3  }
0xb: {  	_ =	strace s4  }
0xc: {  	s4 =	sld [smem:$0x3FFC];
	_ =	sdelay $0x3  }
0xd: {  	_ =	strace s4  }
0xe: {  	s4 =	sld [smem:$0x3FFD];
	_ =	sdelay $0x3  }
0xf: {  	_ =	strace s4  }
0x10: {  	_ =	strace $0x8FFFFFFF  }
0x11: {  	s21 =	sld [smem:$0x3FDB];
	_ =	sdelay $0x1  }
0x12: {  	s5 =	simm.s32 $_scs_section_size  }
0x13: {  	s6 =	simm.s32 $_size__tile_overlayer_lowered;
	s7 =	simm.s32 $_tile_overlayer_lowered  }
0x14: {  	s24 =	simm.s32 $0x1BFF;
	s23 =	sshll.u32 s7, $0x1;
	s4 =	sadd.s32 s5, s21  }
0x15: {  	s8 =	simm.s32 $0x0;
	s22 =	sshll.u32 s6, $0x1;
	s6 =	sadd.s32 s23, s4  }
0x16: {  	[timem:s8], [sflag:s24] =	dma.local [hbm:s6], s22  }
0x17: {  	_ =	swait.ge [sflag:s24], s22  }
0x18: {  	s5 =	ssub.s32 $0x0, s22;
	[sflag:s24] =	ssyncset.done $0x0  }
0x19: {  	[sflag:s24] =	ssyncadd.s32 s5;
	_ =	sdelay $0x1  }
0x1a: {  	s25 =	simm.s32 $0x1B8B  }
0x1b: {  	_ =	swait.ge [sflag:s25], $0x1  }
0x1c: {  	[sflag:s25] =	ssyncset.done $0x0  }
0x1d: {  	s26 =	simm.s32 $0x1B8E;
	[sflag:s25] =	ssyncadd.s32 $0xFFFFFFFF  }
0x1e: {  	s27 =	simm.s32 $execute0_lowered;
	[smem:$0x3FD2] =	sst s26  }
0x1f: {  	s5 =	sshll.u32 s27, $0x1;
	_ =	strace $0x80000046;
	[dreg:$0x1] =	wrdreg $0xFFFFFFFF  }
0x20: {  	s28 =	simm.s32 $_size_execute0_lowered;
	s4 =	sadd.s32 s4, s5;
	[dreg:$0x0] =	wrdreg $0x0  }
0x21: {  	s5 =	sshll.u32 s28, $0x1;
	[dreg:$0x2] =	wrdreg s4  }
0x22: {  	[dreg:$0x3] =	wrdreg s5  }
0x23: {  	[dreg:$0x4] =	wrdreg $0xC0  }
0x24: {  	_ =	task [dreg:s8], $0x5FFFF  }
0x25: {  	[dreg:$0x1] =	wrdreg $0xFFFFFFFF  }
0x26: {  	[dreg:$0x0] =	wrdreg $0x60  }
0x27: {  	[dreg:$0x2] =	wrdreg s2  }
0x28: {  	[dreg:$0x3] =	wrdreg s20  }
0x29: {  	[dreg:$0x4] =	wrdreg $0x9  }
0x2a: {  	_ =	task.clear_ibuf [dreg:s8], $0x5FFFF;
	_ =	strace $0x90000046  }
0x2b: {  	s29 =	simm.s32 $0x9;
	_ =	strace $0x80000048  }
0x2c: {  	_ =	swait.ge [sflag:s29], $0x1  }
0x2d: {  	[sflag:s29] =	ssyncadd.s32 $0xFFFFFFFF  }
0x2e: {  	_ =	strace $0x90000048  }
0x2f: {  	_ =	sfence  }
0x30: {  	s30 =	sld [smem:$0x0];
	_ =	sdelay $0x2  }
0x31: {  	s31 =	sshll.u32 s1, $0xD;
	s1 =	sshrl.u32 s1, $0x2  }
0x32: {  	s3 =	sand.u32 $0x4000, s31;
	s1 =	sadd.s32 s1, s30  }
0x33: {  	s0 =	sor.u32 s3, s0;
	s1 =	sshll.u32 s1, $0x11  }
0x34: {  	s0 =	sor.u32 s1, s0  }
0x35: {  	s0 =	sadd.s32 $0x8F2B, s0  }
0x36: {  	[sflag:s0] =	ssyncadd.remote.s32 $0x1  }
0x37: {  	_ =	sfence.sel $0xFFFF  }
0x38: {  	[dreg:$0x0] =	wrdreg $0xFFFFFFFF;
	(pc) =	sbr.abs _section_cstart, $3  }
0x39: {  	[dreg:$0x1] =	wrdreg $0xFFFFFFFF  }
0x3a: {  	_ =	task.clear_ibuf [dreg:s8], $0x2FFFF;
	_ =	strace $0x9FFFFFFF  }
0x3b: {  	(tm) =	ssettm $0x7FFFFFFF  }
tec
execute0_lowered:
.L_overlay_start_1:
0x0: {  	(tag) =	ssettag $0x1  }
0x1: {  	s2 =	rddreg [dreg:$0x0]  }
0x2: {  	s3 =	rddreg [dreg:$0x1]  }
0x3: {  	s0 =	rddreg [dreg:$0x2];
	s4 =	srdreg.scid  }
.Ltmp0:
0x4: {  	_ =	strace $0x80000047;
	s1 =	stileid.u32;
	(pc) =	sbr.rel .LBB1_1-.Ltmp0, $4  }
0x5: {  	s6 =	simm.s32 $0x2;
	p0 =	por $0x0, $0x0;
	s5 =	sshll.u32 s4, $0x4  }
0x6: {  	s9 =	simm.s32 $0x0;
	s4 =	simm.s32 $0x1;
	s5 =	sand.u32 $0x10, s5  }
0x7: {  	s7 =	simm.s32 $0x0;
	[sflag:s4] =	ssyncpa.u1 $0x0;
	s5 =	sor.u32 s1, s5  }
0x8: {  	[sflag:s6] =	ssyncpa.u1 $0x0;
	s6 =	simm.s32 $0x0;
	s8 =	smov.u32 s5  }
.LBB1_7:
0x9: {  	s11 =	sadd.s32 $0x20, s8  }
0xa: {  	p1 =	slt.u32 s7, $0x2;
	s7 =	sadd.s32 $0x1, s7;
	p2 =	sgt.s32 s11, $0x7FF  }
0xb: {  	s11 =	smov.u32 @p2 s5;
	p2 =	sne.s32 s7, $0x42  }
.Ltmp1:
0xc: {  	_ = 	snop;
	(pc) =	sbr.rel @!p2 .LBB1_8-.Ltmp1, $4  }
0xd: {  	s10 =	simm.s32 @!p1 $0x2  }
0xe: {  	_ =	swait.ge @!p1 [sflag:s10], $0x4000  }
0xf: {  	s9 =	smov.u32 s8;
	[sflag:s10] =	ssyncset.done @!p1 $0x0  }
0x10: {  	p0 =	por !p0, !p0;
	s8 =	smov.u32 s11;
	[sflag:s10] =	ssyncadd.s32 @!p1 $0xFFFFC000  }
.LBB1_1:
0x11: {  	p1 =	sgt.u32 s7, $0x3F  }
0x12: {  	s10 =	sxor.u32 @!p1 $0xFFFFFFFF, s7  }
0x13: {  	s11 =	sshll.u32 @!p1 s8, $0xB;
	s10 =	sshll.u32 @!p1 s10, $0xE  }
0x14: {  	s12 =	simm.s32 @!p1 $0x0;
	s11 =	sadd.s32 @!p1 s2, s11;
	s10 =	sand.u32 @!p1 $0x4000, s10  }
0x15: {  	[tilespmem:s10], [sflag:$0x1] =	stream.linear.gather @!p1 [hbm4b:s11+s12], $0x4000, $0x38;
	[tilespmem:$0x10000] =	vst v63  }
0x16: {  	p1 =	seq.s32 s7, $0x0  }
0x17: {  	p2 =	seq.s32 @!p1 s7, $0x41  }
0x18: {  	p1 =	por p1, p2  }
.Ltmp2:
0x19: {  	_ = 	snop;
	(pc) =	sbr.rel @p1 .LBB1_7-.Ltmp2, $1  }
0x1a: {  	_ =	sdelay $0x3  }
0x1b: {  	s10 =	simm.s32 $0x1;
	_ =	swait.ge [sflag:s4], $0x4000;
	s12 =	sshll.u32 s7, $0xE  }
0x1c: {  	s13 =	simm.s32 $0x0;
	s10 =	simm.s32 @!p0 $0x0;
	[sflag:s4] =	ssyncset.done $0x0  }
0x1d: {  	s12 =	sand.u32 $0x4000, s12;
	s11 =	sshll.u32 s10, $0xE;
	[sflag:s4] =	ssyncadd.s32 $0xFFFFC000  }
0x1e: {  	s12 =	sor.u32 $0x8000, s12;
	s10 =	sor.u32 $0x8040, s11;
	s11 =	sor.u32 $0x40, s11  }
.LBB1_3:
0x1f: {  	v0 =	vmov s11;
	_ =	sdelay $0x3  }
0x20: {  	s15 =	simm.s32 $0x0  }
0x21: {  	v6 =	vld.idx.msk [tilespmem:v0+s15+$0x30 ss:$0x1], $0xffff  }
0x22: {  	v7 =	vld.idx.msk [tilespmem:v0+s15+$0xFFFFFFC0 ss:$0x1], $0xffff  }
0x23: {  	v5 =	vld.idx.msk [tilespmem:v0+s15+$0xFFFFFFD0 ss:$0x1], $0xffff  }
0x24: {  	v4 =	vld.idx.msk [tilespmem:v0+s15+$0xFFFFFFE0 ss:$0x1], $0xffff  }
0x25: {  	v3 =	vld.idx.msk [tilespmem:v0+s15+$0xFFFFFFF0 ss:$0x1], $0xffff  }
0x26: {  	v1 =	vld.idx.msk [tilespmem:v0+s15+$0x0 ss:$0x1], $0xffff  }
0x27: {  	v2 =	vld.idx.msk [tilespmem:v0+s15+$0x10 ss:$0x1], $0xffff;
	[tilespmem:s10+$0x30] =	vst v6  }
0x28: {  	s14 =	simm.s32 $0x80;
	s16 =	simm.s32 $0x400;
	[tilespmem:s10+$0xFFFFFFC0] =	vst v7;
	v6 =	vld.idx.msk [tilespmem:v0+s15+$0x20 ss:$0x1], $0xffff;
	s15 =	smov.u32 s10  }
.LBB1_4:
0x29: {  	p1 =	sne.s32 s16, $0xE00;
	v7 =	vld.idx.msk [tilespmem:v0+s14+$0x30 ss:$0x1], $0xffff;
	[tilespmem:s15+$0xFFFFFFD0] =	vst v5  }
0x2a: {  	v8 =	vld.idx.msk [tilespmem:v0+s14+$0xFFFFFFC0 ss:$0x1], $0xffff;
	[tilespmem:s15+$0xFFFFFFE0] =	vst v4  }
0x2b: {  	v5 =	vld.idx.msk [tilespmem:v0+s14+$0xFFFFFFD0 ss:$0x1], $0xffff;
	[tilespmem:s15+$0xFFFFFFF0] =	vst v3  }
.Ltmp3:
0x2c: {  	v4 =	vld.idx.msk [tilespmem:v0+s14+$0xFFFFFFE0 ss:$0x1], $0xffff;
	[tilespmem:s15+$0x0] =	vst v1;
	(pc) =	sbr.rel @p1 .LBB1_4-.Ltmp3, $4  }
0x2d: {  	v3 =	vld.idx.msk [tilespmem:v0+s14+$0xFFFFFFF0 ss:$0x1], $0xffff;
	[tilespmem:s15+$0x10] =	vst v2  }
0x2e: {  	v1 =	vld.idx.msk [tilespmem:v0+s14+$0x0 ss:$0x1], $0xffff;
	[tilespmem:s15+$0x20] =	vst v6;
	s15 =	sadd.s32 $0x800, s15  }
0x2f: {  	v2 =	vld.idx.msk [tilespmem:v0+s14+$0x10 ss:$0x1], $0xffff;
	[tilespmem:s15+$0x30] =	vst v7  }
0x30: {  	[tilespmem:s15+$0xFFFFFFC0] =	vst v8;
	v6 =	vld.idx.msk [tilespmem:v0+s14+$0x20 ss:$0x1], $0xffff;
	s14 =	sshra.s32 s16, $0x2;
	s16 =	sadd.s32 $0x200, s16  }
0x31: {  	_ =	sdelay $0x2  }
0x32: {  	[tilespmem:s15+$0xFFFFFFD0] =	vst v5  }
0x33: {  	v56 =	vld.idx.msk [tilespmem:v0+s14+$0x30 ss:$0x1], $0xffff;
	[tilespmem:s15+$0xFFFFFFE0] =	vst v4  }
0x34: {  	v57 =	vld.idx.msk [tilespmem:v0+s14+$0xFFFFFFC0 ss:$0x1], $0xffff;
	[tilespmem:s15+$0xFFFFFFF0] =	vst v3  }
0x35: {  	v58 =	vld.idx.msk [tilespmem:v0+s14+$0xFFFFFFD0 ss:$0x1], $0xffff;
	[tilespmem:s15+$0x0] =	vst v1  }
0x36: {  	v59 =	vld.idx.msk [tilespmem:v0+s14+$0xFFFFFFE0 ss:$0x1], $0xffff;
	[tilespmem:s15+$0x10] =	vst v2  }
0x37: {  	v60 =	vld.idx.msk [tilespmem:v0+s14+$0xFFFFFFF0 ss:$0x1], $0xffff;
	s31 =	sadd.s32 $0x800, s15;
	[tilespmem:s15+$0x20] =	vst v6  }
0x38: {  	v61 =	vld.idx.msk [tilespmem:v0+s14+$0x0 ss:$0x1], $0xffff;
	[tilespmem:s31+$0x30] =	vst v56  }
0x39: {  	v62 =	vld.idx.msk [tilespmem:v0+s14+$0x10 ss:$0x1], $0xffff;
	s13 =	sadd.s32 $0x1, s13;
	[tilespmem:s31+$0xFFFFFFC0] =	vst v57  }
0x3a: {  	v63 =	vld.idx.msk [tilespmem:v0+s14+$0x20 ss:$0x1], $0xffff;
	p1 =	sne.s32 s13, $0x10;
	[tilespmem:s31+$0xFFFFFFD0] =	vst v58  }
.Ltmp4:
0x3b: {  	[tilespmem:s31+$0xFFFFFFE0] =	vst v59;
	(pc) =	sbr.rel @p1 .LBB1_3-.Ltmp4, $4  }
0x3c: {  	[tilespmem:s31+$0xFFFFFFF0] =	vst v60  }
0x3d: {  	[tilespmem:s31+$0x0] =	vst v61  }
0x3e: {  	[tilespmem:s31+$0x10] =	vst v62  }
0x3f: {  	s10 =	sadd.s32 $0x80, s10;
	s11 =	sadd.s32 $0x400, s11;
	[tilespmem:s31+$0x20] =	vst v63  }
.Ltmp5:
0x40: {  	(pc) =	sbr.rel .LBB1_7-.Ltmp5, $4  }
0x41: {  	_ = 	snop  }
0x42: {  	s9 =	sshll.u32 s9, $0xB  }
0x43: {  	s9 =	sadd.s32 s3, s9  }
0x44: {  	[hbm4b:s9+s6] =	stream.linear.scatter [tilespmem:s12], [sflag:$0x2], $0x4000, $0x38;
	[tilespmem:$0x10000] =	vst v63  }
.LBB1_8:
0x45: {  	_ =	sfence.sel $0x180000  }
0x46: {  	s2 =	simm.s32 $0x1;
	[bflag:$0x0] =	sbarrier.arrive $0xFFFF  }
0x47: {  	s31 =	simm.s32 $0x2;
	[sflag:s2] =	ssyncpa.u1 $0x1  }
0x48: {  	[sflag:s31] =	ssyncpa.u1 $0x1  }
0x49: {  	p0 =	sne.s32 s1, $0x0;
	_ =	strace $0x90000047  }
0x4a: {  	s0 =	sadd.s32 @!p0 $0x100000, s0;
	[bflag:$0x2] =	sbarrier.arrive $0xFFFF  }
0x4b: {  	[sflag:s0] =	ssyncadd.tile.s32 @!p0 $0x1;
	_ =	shalt  }
.Lfunc_end1:
_tile_overlayer_lowered:
.L_overlay_start_2:
0x4c: {  	(tag) =	ssettag $0x2  }
0x4d: {  	s0 =	rddreg [dreg:$0x0];
	s2 =	stileid.u32  }
0x4e: {  	s1 =	rddreg [dreg:$0x1];
	p0 =	sne.s32 s2, $0x0  }
0x4f: {  	s3 =	rddreg [dreg:$0x2];
	[bflag:$0x3] =	sbarrier.arrive $0xFFFF;
	s2 =	simm.s32 @!p0 $0x1C01  }
0x50: {  	[timem:s3], [sflag:s2] =	dma.local @!p0 [hbm:s0], s1  }
0x51: {  	s0 =	simm.s32 @!p0 $0x1  }
0x52: {  	_ =	swait.ge @!p0 [sflag:s0], s1  }
0x53: {  	s1 =	ssub.s32 @!p0 $0x0, s1;
	[sflag:s0] =	ssyncset.done @!p0 $0x0  }
0x54: {  	[sflag:s0] =	ssyncadd.s32 @!p0 s1  }
0x55: {  	[bflag:$0x3] =	sbarrier.arrive $0xFFFF  }
0x56: {  	_ =	shalt  }

</sc_bundles>
